<compile_context>
chip_gen: v7x
topology: tpu7x:2x2x1
jax: 0.10.2.dev20260603
libtpu: 0.0.44.dev20260713+nightly
codegen_flags: <defaults>
</compile_context>

<pallas_src>
import functools

import jax
import jax.numpy as jnp
from jax import lax
from jax.experimental import pallas as pl
from jax.experimental.pallas import tpu as pltpu
from jax.experimental.pallas import tpu_sc as plsc

_NS = 16
_NC = 2
_NW = _NC * _NS
_CK = 128


def _cdiv(a, b):
    return (a + b - 1) // b



def _deg_call(dst1d, npad, cpt):
    mesh = plsc.VectorSubcoreMesh(core_axis_name="c", subcore_axis_name="s")

    @functools.partial(
        pl.kernel,
        mesh=mesh,
        out_type=jax.ShapeDtypeStruct((_NW * npad,), jnp.float32),
        compiler_params=pltpu.CompilerParams(needs_layout_passes=False),
        scratch_types=[
            pltpu.VMEM((_CK,), jnp.int32),
            pltpu.VMEM((npad,), jnp.float32),
        ],
    )
    def k(dst_hbm, out_hbm, didx, priv):
        c = lax.axis_index("c")
        s = lax.axis_index("s")
        wid = c * _NS + s

        def zero(i, _):
            priv[pl.ds(i * 16, 16)] = jnp.zeros((16,), jnp.float32)
            return 0

        lax.fori_loop(0, npad // 16, zero, 0)
        ones16 = jnp.ones((16,), jnp.float32)

        def body(j, _):
            off = (wid * cpt + j) * _CK
            pltpu.sync_copy(dst_hbm.at[pl.ds(off, _CK)], didx)
            for i in range(_CK // 16):
                idx = didx[pl.ds(i * 16, 16)]
                plsc.addupdate_scatter(priv, [idx], ones16)
            return 0

        lax.fori_loop(0, cpt, body, 0)
        pltpu.sync_copy(priv, out_hbm.at[pl.ds(wid * npad, npad)])

    return k(dst1d)



_CKL = 128


def _gs_call(g, src1d, dst1d, cpt0, cpt1):
    n, h = g.shape
    mesh = plsc.VectorSubcoreMesh(core_axis_name="c", subcore_axis_name="s")

    @functools.partial(
        pl.kernel,
        mesh=mesh,
        out_type=(),
        scratch_types=[
            pltpu.VMEM((_CKL,), jnp.int32),
            pltpu.VMEM((_CKL,), jnp.int32),
            pltpu.VMEM((_CKL, h), jnp.float32),
            pltpu.SemaphoreType.DMA,
            pltpu.SemaphoreType.DMA,
        ],
    )
    def k(g_hbm, src_hbm, dst_hbm, acc_ref, sidx, didx, rows, gsem, ssem):
        c = lax.axis_index("c")
        s = lax.axis_index("s")
        base = jnp.where(c == 0, s * cpt0,
                         _NS * cpt0 + s * cpt1) * _CKL
        nch = jnp.where(c == 0, cpt0, cpt1)

        def body(j, _):
            off = base + j * _CKL
            pltpu.sync_copy(src_hbm.at[pl.ds(off, _CKL)], sidx)
            pltpu.sync_copy(dst_hbm.at[pl.ds(off, _CKL)], didx)
            pltpu.async_copy(g_hbm.at[sidx], rows, gsem).wait()
            pltpu.async_copy(rows, acc_ref.at[didx], ssem, add=True).wait()
            return 0

        lax.fori_loop(0, nch, body, 0)

    acc = jax.new_ref(jnp.concatenate([g, jnp.zeros((8, h), jnp.float32)]))
    k(g, src1d, dst1d, acc)
    return acc[...][:n]



def _dinv_call(parts):

    def body(p_ref, o_ref):
        deg = jnp.sum(p_ref[...], axis=0, keepdims=True)
        o_ref[...] = lax.rsqrt(deg + 1.0)

    return pl.pallas_call(
        body,
        out_shape=jax.ShapeDtypeStruct((1, parts.shape[1]), jnp.float32),
    )(parts)


def _mm_call(dinv, a, g, W, b):
    n, d = a.shape
    h = W.shape[1]
    bm = 2000 if n % 2000 == 0 else n
    grid = n // bm

    def body(dv_ref, a_ref, W_ref, b_ref, o_ref):
        av = a_ref[...]
        dv = dv_ref[...]
        if b is not None:
            av = dv * jnp.maximum(dv * av + b_ref[...], 0.0)
        else:
            av = dv * av
        o_ref[...] = lax.dot_general(av, W_ref[...], (((1,), (0,)), ((), ())),
                                     preferred_element_type=jnp.float32)

    bias = jnp.zeros((1, d), jnp.float32) if b is None else b.reshape(1, d)
    del g
    return pl.pallas_call(
        body,
        grid=(grid,),
        in_specs=[
            pl.BlockSpec((bm, 1), lambda i: (i, 0)),
            pl.BlockSpec((bm, d), lambda i: (i, 0)),
            pl.BlockSpec((d, h), lambda i: (0, 0)),
            pl.BlockSpec((1, d), lambda i: (0, 0)),
        ],
        out_specs=pl.BlockSpec((bm, h), lambda i: (i, 0)),
        out_shape=jax.ShapeDtypeStruct((n, h), jnp.float32),
    )(dinv, a, W, bias)


def _head_call(dinv, a, Wa, b, ba, batch, maskf, num_seg):
    n, h = a.shape
    neg = -1e30

    def body(dv_ref, a_ref, Wa_ref, b_ref, ba_ref, bt_ref, m_ref, o_ref):
        hv = jnp.maximum(dv_ref[...] * a_ref[...] + b_ref[...], 0.0)
        lg = lax.dot_general(hv, Wa_ref[...], (((1,), (0,)), ((), ())),
                             preferred_element_type=jnp.float32) + ba_ref[...]
        bt = bt_ref[...]
        m = m_ref[...]
        masked = jnp.where(m > 0, lg, neg)
        seg = lax.broadcasted_iota(jnp.int32, (1, num_seg), 1)
        onehot = bt == seg
        vals = jnp.where(onehot, masked, neg)
        smax = jnp.max(vals, axis=0, keepdims=True)
        smax = jnp.where(smax > -1e29, smax, 0.0)
        pmax = jnp.sum(jnp.where(onehot, smax, 0.0), axis=1, keepdims=True)
        ex = jnp.where(m > 0, jnp.exp(masked - pmax), 0.0)
        den = jnp.sum(jnp.where(onehot, ex, 0.0), axis=0, keepdims=True)
        pden = jnp.sum(jnp.where(onehot, den, 0.0), axis=1, keepdims=True)
        o_ref[...] = ex / pden

    return pl.pallas_call(
        body,
        out_shape=jax.ShapeDtypeStruct((n, 1), jnp.float32),
    )(dinv, a, Wa, b.reshape(1, h), ba.reshape(1, 1), batch, maskf)



def kernel(x, edge_index, mask, batch, W1, b1, W2, b2, W3, b3, Wa, ba):
    n, d = x.shape
    e = edge_index.shape[1]
    src = edge_index[0]
    dst = edge_index[1]

    t_pair = 2 * _cdiv(e, _NW * _CK)
    cpt0 = (63 * t_pair) // 100
    cpt1 = t_pair - cpt0
    e_pad = _NS * t_pair * _CK
    cpt = t_pair // 2
    src_p = jnp.concatenate([src, jnp.zeros((e_pad - e,), jnp.int32)])
    pad_i = jnp.arange(e, e_pad, dtype=jnp.int32)
    dst_p = jnp.concatenate([dst, n + (pad_i % 8)])
    npad = 16 * _cdiv(n + 1, 16)

    parts = _deg_call(dst_p, npad, cpt).reshape(_NW, npad)
    dinv = _dinv_call(parts).reshape(npad, 1)[:n]

    g1 = _mm_call(dinv, x, None, W1, None)
    a1 = _gs_call(g1, src_p, dst_p, cpt0, cpt1)
    g2 = _mm_call(dinv, a1, g1, W2, b1)
    a2 = _gs_call(g2, src_p, dst_p, cpt0, cpt1)
    g3 = _mm_call(dinv, a2, g2, W3, b2)
    a3 = _gs_call(g3, src_p, dst_p, cpt0, cpt1)

    probs = _head_call(dinv, a3, Wa, b3, ba, batch.reshape(n, 1),
                       mask.astype(jnp.float32).reshape(n, 1), 32)
    return probs.reshape(n)

# --- scband reference (transcript-rebuilt; emitter-appended) ---
"""Pipeline reference for scband-policy-network-266287973075 (READ-ONLY COPY).

The authoritative reference and input builder live on the scoring server;
editing this copy changes nothing except your own understanding.
"""

import jax, jax.numpy as jnp
import numpy as np

N = 10000
E = 320000
D = 128
H = 256
G = 32


def setup_inputs(seed: int = 0) -> dict:
    key = jax.random.key(seed)
    ks = jax.random.split(key, 14)
    x = jax.random.normal(ks[0], (N, D), dtype=jnp.float32)
    edge_index = jax.random.randint(ks[1], (2, E), 0, N, dtype=jnp.int32)
    mask = jax.random.bernoulli(ks[2], 0.5, (N,))
    batch = jnp.sort(jax.random.randint(ks[3], (N,), 0, G, dtype=jnp.int32))
    # GCNConv weights (3 layers) + actor head, glorot-ish scaling
    W1 = jax.random.normal(ks[4], (D, H), dtype=jnp.float32) * (1.0 / np.sqrt(D))
    b1 = jnp.zeros((H,), dtype=jnp.float32)
    W2 = jax.random.normal(ks[5], (H, H), dtype=jnp.float32) * (1.0 / np.sqrt(H))
    b2 = jnp.zeros((H,), dtype=jnp.float32)
    W3 = jax.random.normal(ks[6], (H, H), dtype=jnp.float32) * (1.0 / np.sqrt(H))
    b3 = jnp.zeros((H,), dtype=jnp.float32)
    Wa = jax.random.normal(ks[7], (H, 1), dtype=jnp.float32) * (1.0 / np.sqrt(H))
    ba = jnp.zeros((1,), dtype=jnp.float32)
    return {"x": x, "edge_index": edge_index, "mask": mask, "batch": batch,
            "W1": W1, "b1": b1, "W2": W2, "b2": b2, "W3": W3, "b3": b3,
            "Wa": Wa, "ba": ba}


def reference(x, edge_index, mask, batch, W1, b1, W2, b2, W3, b3, Wa, ba):
    n = x.shape[0]
    loop = jnp.arange(n, dtype=edge_index.dtype)
    src = jnp.concatenate([edge_index[0], loop])
    dst = jnp.concatenate([edge_index[1], loop])
    deg = jnp.zeros((n,), x.dtype).at[dst].add(1.0)
    dinv = 1.0 / jnp.sqrt(deg)  # deg >= 1 due to self loops
    norm = dinv[src] * dinv[dst]

    def conv(h, W, b):
        h = h @ W
        msg = h[src] * norm[:, None]
        out = jnp.zeros((n, W.shape[1]), h.dtype).at[dst].add(msg)
        return out + b

    h = jax.nn.relu(conv(x, W1, b1))
    h = jax.nn.relu(conv(h, W2, b2))
    h = jax.nn.relu(conv(h, W3, b3))
    logits = (h @ Wa + ba)[:, 0]
    # masked scatter-softmax per subgraph
    masked = jnp.where(mask, logits, -jnp.inf)
    seg_max = jax.ops.segment_max(masked, batch, num_segments=G)
    seg_max = jnp.where(jnp.isfinite(seg_max), seg_max, 0.0)
    ex = jnp.exp(masked - seg_max[batch])
    denom = jax.ops.segment_sum(ex, batch, num_segments=G)
    probs = ex / denom[batch]
    return probs

if __name__ == "__main__":
    import jax
    _d = setup_inputs()
    print(jax.jit(kernel)(*tuple(_d.values())))

</pallas_src>

<mosaic_0001>
#map = affine_map<(d0, d1) -> (0)>
module attributes {stable_mosaic.version = 14 : i64} {
  func.func @k(%arg0: i32, %arg1: i32, %arg2: memref<323584xi32, #tpu.memory_space<hbm>>, %arg3: memref<320512xf32, #tpu.memory_space<hbm>>, %arg4: memref<128xi32, #tpu.memory_space<vmem>>, %arg5: memref<10016xf32, #tpu.memory_space<vmem>>) attributes {dimension_semantics = [#tpu.dimension_semantics<core_parallel>, #tpu.dimension_semantics<subcore_parallel>], iteration_bounds = array<i64: 2, 16>, scalar_prefetch = 0 : i64, scratch_operands = 2 : i64, tpu.core_type = #tpu.core_type<sc_vector_subcore>, window_params = [{transform_indices = #map}, {transform_indices = #map}]} {
    %mul3A = arith.constant 16 : i32
    %mul3A_0 = arith.muli %arg0, %mul3A : i32
    %add3A = arith.addi %mul3A_0, %arg1 : i32
    %scan3A = arith.constant 0 : i32
    %scan3A_1 = arith.constant 0 : i32
    %scan3A_2 = arith.constant 626 : i32
    %scan3A_3 = arith.addi %scan3A_1, %scan3A_2 : i32
    %scan3A_4 = arith.constant 1 : i32
    %scan3A_5 = scf.for %scan3A_17 = %scan3A_1 to %scan3A_3 step %scan3A_4 iter_args(%scan3A_18 = %scan3A) -> (i32)  : i32 {
      %broadcast_in_dim3A_19 = arith.constant 0.000000e+00 : f32
      %broadcast_in_dim3A_20 = vector.broadcast %broadcast_in_dim3A_19 : f32 to vector<16xf32>
      %mul3A_21 = arith.constant 16 : i32
      %mul3A_22 = arith.muli %scan3A_17, %mul3A_21 : i32
      %swap3A = arith.index_cast %mul3A_22 : i32 to index
      %swap3A_23 = tpu.vector_load %arg5[%swap3A] {strides = array<i32>} : memref<10016xf32, #tpu.memory_space<vmem>>, vector<16xf32>,
      tpu.vector_store %arg5[%swap3A], %broadcast_in_dim3A_20 {strides = array<i32>} : memref<10016xf32, #tpu.memory_space<vmem>>, vector<16xf32>,
      %scan3A_24 = arith.constant 0 : i32
      scf.yield %scan3A_24 : i32
    }
    %scan3A_6 = arith.constant 626 : i32
    %broadcast_in_dim3A = arith.constant 1.000000e+00 : f32
    %broadcast_in_dim3A_7 = vector.broadcast %broadcast_in_dim3A : f32 to vector<16xf32>
    %scan3A_8 = arith.constant 0 : i32
    %scan3A_9 = arith.constant 0 : i32
    %scan3A_10 = arith.constant 79 : i32
    %scan3A_11 = arith.addi %scan3A_9, %scan3A_10 : i32
    %scan3A_12 = arith.constant 1 : i32
    %scan3A_13 = scf.for %scan3A_17 = %scan3A_9 to %scan3A_11 step %scan3A_12 iter_args(%scan3A_18 = %scan3A_8) -> (i32)  : i32 {
      %mul3A_19 = arith.constant 79 : i32
      %mul3A_20 = arith.muli %add3A, %mul3A_19 : i32
      %add3A_21 = arith.addi %mul3A_20, %scan3A_17 : i32
      %mul3A_22 = arith.constant 128 : i32
      %mul3A_23 = arith.muli %add3A_21, %mul3A_22 : i32
      "tpu.region"() ({
        %run_scoped3A = tpu.sem_alloc : memref<!tpu.dma_semaphore, #tpu.memory_space<semaphore_mem>>
        %dma_start3A = tpu.memref_slice %arg2[%mul3A_23] : memref<323584xi32, #tpu.memory_space<hbm>> -> memref<128xi32, #tpu.memory_space<hbm>>
        %dma_start3A_40 = tpu.memref_slice %arg2[%mul3A_23] : memref<323584xi32, #tpu.memory_space<hbm>> -> memref<128xi32, #tpu.memory_space<hbm>>
        tpu.enqueue_dma source(%dma_start3A_40 : memref<128xi32, #tpu.memory_space<hbm>>) target(%arg4 : memref<128xi32, #tpu.memory_space<vmem>>) target_semaphore(%run_scoped3A : memref<!tpu.dma_semaphore, #tpu.memory_space<semaphore_mem>>)
        %dma_wait3A = tpu.memref_slice %arg2[%mul3A_23] : memref<323584xi32, #tpu.memory_space<hbm>> -> memref<128xi32, #tpu.memory_space<hbm>>
        %dma_wait3A_41 = tpu.memref_slice %arg2[%mul3A_23] : memref<323584xi32, #tpu.memory_space<hbm>> -> memref<128xi32, #tpu.memory_space<hbm>>
        tpu.wait_dma2 semaphore(%run_scoped3A : memref<!tpu.dma_semaphore, #tpu.memory_space<semaphore_mem>>) src(%dma_wait3A_41 : memref<128xi32, #tpu.memory_space<hbm>>) dst(%arg4 : memref<128xi32, #tpu.memory_space<vmem>>)
        tpu.yield
      }) : () -> ()
      %get3A = arith.constant 0 : index
      %get3A_24 = tpu.vector_load %arg4[%get3A] {strides = array<i32>} : memref<128xi32, #tpu.memory_space<vmem>>, vector<16xi32>,
      tpu.vector_store_idx %arg5[%get3A_24], %broadcast_in_dim3A_7 {add = true} : memref<10016xf32, #tpu.memory_space<vmem>>[vector<16xi32>], vector<16xf32>,
      %get3A_25 = arith.constant 16 : index
      %get3A_26 = tpu.vector_load %arg4[%get3A_25] {strides = array<i32>} : memref<128xi32, #tpu.memory_space<vmem>>, vector<16xi32>,
      tpu.vector_store_idx %arg5[%get3A_26], %broadcast_in_dim3A_7 {add = true} : memref<10016xf32, #tpu.memory_space<vmem>>[vector<16xi32>], vector<16xf32>,
      %get3A_27 = arith.constant 32 : index
      %get3A_28 = tpu.vector_load %arg4[%get3A_27] {strides = array<i32>} : memref<128xi32, #tpu.memory_space<vmem>>, vector<16xi32>,
      tpu.vector_store_idx %arg5[%get3A_28], %broadcast_in_dim3A_7 {add = true} : memref<10016xf32, #tpu.memory_space<vmem>>[vector<16xi32>], vector<16xf32>,
      %get3A_29 = arith.constant 48 : index
      %get3A_30 = tpu.vector_load %arg4[%get3A_29] {strides = array<i32>} : memref<128xi32, #tpu.memory_space<vmem>>, vector<16xi32>,
      tpu.vector_store_idx %arg5[%get3A_30], %broadcast_in_dim3A_7 {add = true} : memref<10016xf32, #tpu.memory_space<vmem>>[vector<16xi32>], vector<16xf32>,
      %get3A_31 = arith.constant 64 : index
      %get3A_32 = tpu.vector_load %arg4[%get3A_31] {strides = array<i32>} : memref<128xi32, #tpu.memory_space<vmem>>, vector<16xi32>,
      tpu.vector_store_idx %arg5[%get3A_32], %broadcast_in_dim3A_7 {add = true} : memref<10016xf32, #tpu.memory_space<vmem>>[vector<16xi32>], vector<16xf32>,
      %get3A_33 = arith.constant 80 : index
      %get3A_34 = tpu.vector_load %arg4[%get3A_33] {strides = array<i32>} : memref<128xi32, #tpu.memory_space<vmem>>, vector<16xi32>,
      tpu.vector_store_idx %arg5[%get3A_34], %broadcast_in_dim3A_7 {add = true} : memref<10016xf32, #tpu.memory_space<vmem>>[vector<16xi32>], vector<16xf32>,
      %get3A_35 = arith.constant 96 : index
      %get3A_36 = tpu.vector_load %arg4[%get3A_35] {strides = array<i32>} : memref<128xi32, #tpu.memory_space<vmem>>, vector<16xi32>,
      tpu.vector_store_idx %arg5[%get3A_36], %broadcast_in_dim3A_7 {add = true} : memref<10016xf32, #tpu.memory_space<vmem>>[vector<16xi32>], vector<16xf32>,
      %get3A_37 = arith.constant 112 : index
      %get3A_38 = tpu.vector_load %arg4[%get3A_37] {strides = array<i32>} : memref<128xi32, #tpu.memory_space<vmem>>, vector<16xi32>,
      tpu.vector_store_idx %arg5[%get3A_38], %broadcast_in_dim3A_7 {add = true} : memref<10016xf32, #tpu.memory_space<vmem>>[vector<16xi32>], vector<16xf32>,
      %scan3A_39 = arith.constant 0 : i32
      scf.yield %scan3A_39 : i32
    }
    %scan3A_14 = arith.constant 79 : i32
    %mul3A_15 = arith.constant 10016 : i32
    %mul3A_16 = arith.muli %add3A, %mul3A_15 : i32
    "tpu.region"() ({
      %run_scoped3A = tpu.sem_alloc : memref<!tpu.dma_semaphore, #tpu.memory_space<semaphore_mem>>
      %dma_start3A = tpu.memref_slice %arg3[%mul3A_16] : memref<320512xf32, #tpu.memory_space<hbm>> -> memref<10016xf32, #tpu.memory_space<hbm>>
      %dma_start3A_17 = tpu.memref_slice %arg3[%mul3A_16] : memref<320512xf32, #tpu.memory_space<hbm>> -> memref<10016xf32, #tpu.memory_space<hbm>>
      tpu.enqueue_dma source(%arg5 : memref<10016xf32, #tpu.memory_space<vmem>>) target(%dma_start3A_17 : memref<10016xf32, #tpu.memory_space<hbm>>) target_semaphore(%run_scoped3A : memref<!tpu.dma_semaphore, #tpu.memory_space<semaphore_mem>>)
      %dma_wait3A = tpu.memref_slice %arg3[%mul3A_16] : memref<320512xf32, #tpu.memory_space<hbm>> -> memref<10016xf32, #tpu.memory_space<hbm>>
      %dma_wait3A_18 = tpu.memref_slice %arg3[%mul3A_16] : memref<320512xf32, #tpu.memory_space<hbm>> -> memref<10016xf32, #tpu.memory_space<hbm>>
      tpu.wait_dma2 semaphore(%run_scoped3A : memref<!tpu.dma_semaphore, #tpu.memory_space<semaphore_mem>>) src(%arg5 : memref<10016xf32, #tpu.memory_space<vmem>>) dst(%dma_wait3A_18 : memref<10016xf32, #tpu.memory_space<hbm>>)
      tpu.yield
    }) : () -> ()
    return
  }
}

#map = affine_map<(d0, d1) -> (0, 0)>
#map1 = affine_map<(d0, d1) -> (0)>
module attributes {stable_mosaic.version = 14 : i64} {
  func.func @new_body(%arg0: i32, %arg1: i32, %arg2: memref<10000x256xf32, #tpu.memory_space<hbm>>, %arg3: memref<323584xi32, #tpu.memory_space<hbm>>, %arg4: memref<323584xi32, #tpu.memory_space<hbm>>, %arg5: memref<10008x256xf32, #tpu.memory_space<hbm>>, %arg6: memref<10008x256xf32, #tpu.memory_space<hbm>>, %arg7: memref<128xi32, #tpu.memory_space<vmem>>, %arg8: memref<128xi32, #tpu.memory_space<vmem>>, %arg9: memref<128x256xf32, #tpu.memory_space<vmem>>, %arg10: memref<!tpu.dma_semaphore, #tpu.memory_space<semaphore_mem>>, %arg11: memref<!tpu.dma_semaphore, #tpu.memory_space<semaphore_mem>>) attributes {dimension_semantics = [#tpu.dimension_semantics<core_parallel>, #tpu.dimension_semantics<subcore_parallel>], iteration_bounds = array<i64: 2, 16>, scalar_prefetch = 0 : i64, scratch_operands = 5 : i64, tpu.core_type = #tpu.core_type<sc_vector_subcore>, window_params = [{transform_indices = #map}, {transform_indices = #map1}, {transform_indices = #map1}, {transform_indices = #map}, {transform_indices = #map}]} {
    %eq3A = arith.constant 0 : i32
    %eq3A_0 = arith.cmpi eq, %arg0, %eq3A : i32
    %mul3A = arith.constant 99 : i32
    %mul3A_1 = arith.muli %arg1, %mul3A : i32
    %mul3A_2 = arith.constant 59 : i32
    %mul3A_3 = arith.muli %arg1, %mul3A_2 : i32
    %add3A = arith.constant 1584 : i32
    %add3A_4 = arith.addi %add3A, %mul3A_3 : i32
    %select_n3A = arith.select %eq3A_0, %mul3A_1, %add3A_4 : i32
    %mul3A_5 = arith.constant 128 : i32
    %mul3A_6 = arith.muli %select_n3A, %mul3A_5 : i32
    %eq3A_7 = arith.constant 0 : i32
    %eq3A_8 = arith.cmpi eq, %arg0, %eq3A_7 : i32
    %jit3A = arith.constant 99 : i32
    %jit3A_9 = arith.constant 59 : i32
    %select_n3A_10 = arith.select %eq3A_8, %jit3A, %jit3A_9 : i32
    %while3A = arith.constant 0 : i32
    %while3A_11 = arith.constant 0 : i32
    %while3A_12 = arith.subi %select_n3A_10, %while3A : i32
    %while3A_13 = arith.addi %while3A, %while3A_12 : i32
    %while3A_14 = arith.constant 1 : i32
    %while3A_15 = arith.divsi %while3A_12, %while3A_14 : i32
    %while3A_16 = arith.muli %while3A_15, %while3A_14 : i32
    %while3A_17 = arith.addi %while3A, %while3A_16 : i32
    %while3A_18 = arith.constant 1 : i32
    %while3A_19 = scf.for %while3A_22 = %while3A to %while3A_17 step %while3A_18 iter_args(%while3A_23 = %while3A_11) -> (i32)  : i32 {
      %mul3A_24 = arith.constant 128 : i32
      %mul3A_25 = arith.muli %while3A_22, %mul3A_24 : i32
      %add3A_26 = arith.addi %mul3A_6, %mul3A_25 : i32
      "tpu.region"() ({
        %run_scoped3A = tpu.sem_alloc : memref<!tpu.dma_semaphore, #tpu.memory_space<semaphore_mem>>
        %dma_start3A_38 = tpu.memref_slice %arg3[%add3A_26] : memref<323584xi32, #tpu.memory_space<hbm>> -> memref<128xi32, #tpu.memory_space<hbm>>
        %dma_start3A_39 = tpu.memref_slice %arg3[%add3A_26] : memref<323584xi32, #tpu.memory_space<hbm>> -> memref<128xi32, #tpu.memory_space<hbm>>
        tpu.enqueue_dma source(%dma_start3A_39 : memref<128xi32, #tpu.memory_space<hbm>>) target(%arg7 : memref<128xi32, #tpu.memory_space<vmem>>) target_semaphore(%run_scoped3A : memref<!tpu.dma_semaphore, #tpu.memory_space<semaphore_mem>>)
        %dma_wait3A_40 = tpu.memref_slice %arg3[%add3A_26] : memref<323584xi32, #tpu.memory_space<hbm>> -> memref<128xi32, #tpu.memory_space<hbm>>
        %dma_wait3A_41 = tpu.memref_slice %arg3[%add3A_26] : memref<323584xi32, #tpu.memory_space<hbm>> -> memref<128xi32, #tpu.memory_space<hbm>>
        tpu.wait_dma2 semaphore(%run_scoped3A : memref<!tpu.dma_semaphore, #tpu.memory_space<semaphore_mem>>) src(%dma_wait3A_41 : memref<128xi32, #tpu.memory_space<hbm>>) dst(%arg7 : memref<128xi32, #tpu.memory_space<vmem>>)
        tpu.yield
      }) : () -> ()
      "tpu.region"() ({
        %run_scoped3A = tpu.sem_alloc : memref<!tpu.dma_semaphore, #tpu.memory_space<semaphore_mem>>
        %dma_start3A_38 = tpu.memref_slice %arg4[%add3A_26] : memref<323584xi32, #tpu.memory_space<hbm>> -> memref<128xi32, #tpu.memory_space<hbm>>
        %dma_start3A_39 = tpu.memref_slice %arg4[%add3A_26] : memref<323584xi32, #tpu.memory_space<hbm>> -> memref<128xi32, #tpu.memory_space<hbm>>
        tpu.enqueue_dma source(%dma_start3A_39 : memref<128xi32, #tpu.memory_space<hbm>>) target(%arg8 : memref<128xi32, #tpu.memory_space<vmem>>) target_semaphore(%run_scoped3A : memref<!tpu.dma_semaphore, #tpu.memory_space<semaphore_mem>>)
        %dma_wait3A_40 = tpu.memref_slice %arg4[%add3A_26] : memref<323584xi32, #tpu.memory_space<hbm>> -> memref<128xi32, #tpu.memory_space<hbm>>
        %dma_wait3A_41 = tpu.memref_slice %arg4[%add3A_26] : memref<323584xi32, #tpu.memory_space<hbm>> -> memref<128xi32, #tpu.memory_space<hbm>>
        tpu.wait_dma2 semaphore(%run_scoped3A : memref<!tpu.dma_semaphore, #tpu.memory_space<semaphore_mem>>) src(%dma_wait3A_41 : memref<128xi32, #tpu.memory_space<hbm>>) dst(%arg8 : memref<128xi32, #tpu.memory_space<vmem>>)
        tpu.yield
      }) : () -> ()
      %dma_start3A = arith.constant 0 : i32
      %dma_start3A_27 = arith.constant 0 : i32
      %dma_start3A_28 = tpu.memref_slice %arg2[%dma_start3A, %dma_start3A_27] : memref<10000x256xf32, #tpu.memory_space<hbm>> -> memref<10000x256xf32, #tpu.memory_space<hbm>>
      tpu.enqueue_indirect_dma source(%dma_start3A_28 : memref<10000x256xf32, #tpu.memory_space<hbm>>) target(%arg9 : memref<128x256xf32, #tpu.memory_space<vmem>>) offsets(%arg7 : memref<128xi32, #tpu.memory_space<vmem>>) semaphore(%arg10 : memref<!tpu.dma_semaphore, #tpu.memory_space<semaphore_mem>>)
      %dma_wait3A = arith.constant 0 : i32
      %dma_wait3A_29 = arith.constant 0 : i32
      %dma_wait3A_30 = tpu.memref_slice %arg2[%dma_wait3A, %dma_wait3A_29] : memref<10000x256xf32, #tpu.memory_space<hbm>> -> memref<10000x256xf32, #tpu.memory_space<hbm>>
      tpu.wait_indirect_dma semaphore(%arg10 : memref<!tpu.dma_semaphore, #tpu.memory_space<semaphore_mem>>) src(%dma_wait3A_30 : memref<10000x256xf32, #tpu.memory_space<hbm>>) dst(%arg9 : memref<128x256xf32, #tpu.memory_space<vmem>>)
      %dma_start3A_31 = arith.constant 0 : i32
      %dma_start3A_32 = arith.constant 0 : i32
      %dma_start3A_33 = tpu.memref_slice %arg5[%dma_start3A_31, %dma_start3A_32] : memref<10008x256xf32, #tpu.memory_space<hbm>> -> memref<10008x256xf32, #tpu.memory_space<hbm>>
      tpu.enqueue_indirect_dma source(%arg9 : memref<128x256xf32, #tpu.memory_space<vmem>>) target(%dma_start3A_33 : memref<10008x256xf32, #tpu.memory_space<hbm>>) offsets(%arg8 : memref<128xi32, #tpu.memory_space<vmem>>) semaphore(%arg11 : memref<!tpu.dma_semaphore, #tpu.memory_space<semaphore_mem>>) {add = true}
      %dma_wait3A_34 = arith.constant 0 : i32
      %dma_wait3A_35 = arith.constant 0 : i32
      %dma_wait3A_36 = tpu.memref_slice %arg5[%dma_wait3A_34, %dma_wait3A_35] : memref<10008x256xf32, #tpu.memory_space<hbm>> -> memref<10008x256xf32, #tpu.memory_space<hbm>>
      tpu.wait_indirect_dma semaphore(%arg11 : memref<!tpu.dma_semaphore, #tpu.memory_space<semaphore_mem>>) src(%arg9 : memref<128x256xf32, #tpu.memory_space<vmem>>) dst(%dma_wait3A_36 : memref<10008x256xf32, #tpu.memory_space<hbm>>)
      %while3A_37 = arith.constant 0 : i32
      scf.yield %while3A_37 : i32
    }
    %while3A_20 = arith.constant 1 : i32
    %while3A_21 = scf.for %while3A_22 = %while3A_17 to %while3A_13 step %while3A_20 iter_args(%while3A_23 = %while3A_19) -> (i32)  : i32 {
      %mul3A_24 = arith.constant 128 : i32
      %mul3A_25 = arith.muli %while3A_22, %mul3A_24 : i32
      %add3A_26 = arith.addi %mul3A_6, %mul3A_25 : i32
      "tpu.region"() ({
        %run_scoped3A = tpu.sem_alloc : memref<!tpu.dma_semaphore, #tpu.memory_space<semaphore_mem>>
        %dma_start3A_38 = tpu.memref_slice %arg3[%add3A_26] : memref<323584xi32, #tpu.memory_space<hbm>> -> memref<128xi32, #tpu.memory_space<hbm>>
        %dma_start3A_39 = tpu.memref_slice %arg3[%add3A_26] : memref<323584xi32, #tpu.memory_space<hbm>> -> memref<128xi32, #tpu.memory_space<hbm>>
        tpu.enqueue_dma source(%dma_start3A_39 : memref<128xi32, #tpu.memory_space<hbm>>) target(%arg7 : memref<128xi32, #tpu.memory_space<vmem>>) target_semaphore(%run_scoped3A : memref<!tpu.dma_semaphore, #tpu.memory_space<semaphore_mem>>)
        %dma_wait3A_40 = tpu.memref_slice %arg3[%add3A_26] : memref<323584xi32, #tpu.memory_space<hbm>> -> memref<128xi32, #tpu.memory_space<hbm>>
        %dma_wait3A_41 = tpu.memref_slice %arg3[%add3A_26] : memref<323584xi32, #tpu.memory_space<hbm>> -> memref<128xi32, #tpu.memory_space<hbm>>
        tpu.wait_dma2 semaphore(%run_scoped3A : memref<!tpu.dma_semaphore, #tpu.memory_space<semaphore_mem>>) src(%dma_wait3A_41 : memref<128xi32, #tpu.memory_space<hbm>>) dst(%arg7 : memref<128xi32, #tpu.memory_space<vmem>>)
        tpu.yield
      }) : () -> ()
      "tpu.region"() ({
        %run_scoped3A = tpu.sem_alloc : memref<!tpu.dma_semaphore, #tpu.memory_space<semaphore_mem>>
        %dma_start3A_38 = tpu.memref_slice %arg4[%add3A_26] : memref<323584xi32, #tpu.memory_space<hbm>> -> memref<128xi32, #tpu.memory_space<hbm>>
        %dma_start3A_39 = tpu.memref_slice %arg4[%add3A_26] : memref<323584xi32, #tpu.memory_space<hbm>> -> memref<128xi32, #tpu.memory_space<hbm>>
        tpu.enqueue_dma source(%dma_start3A_39 : memref<128xi32, #tpu.memory_space<hbm>>) target(%arg8 : memref<128xi32, #tpu.memory_space<vmem>>) target_semaphore(%run_scoped3A : memref<!tpu.dma_semaphore, #tpu.memory_space<semaphore_mem>>)
        %dma_wait3A_40 = tpu.memref_slice %arg4[%add3A_26] : memref<323584xi32, #tpu.memory_space<hbm>> -> memref<128xi32, #tpu.memory_space<hbm>>
        %dma_wait3A_41 = tpu.memref_slice %arg4[%add3A_26] : memref<323584xi32, #tpu.memory_space<hbm>> -> memref<128xi32, #tpu.memory_space<hbm>>
        tpu.wait_dma2 semaphore(%run_scoped3A : memref<!tpu.dma_semaphore, #tpu.memory_space<semaphore_mem>>) src(%dma_wait3A_41 : memref<128xi32, #tpu.memory_space<hbm>>) dst(%arg8 : memref<128xi32, #tpu.memory_space<vmem>>)
        tpu.yield
      }) : () -> ()
      %dma_start3A = arith.constant 0 : i32
      %dma_start3A_27 = arith.constant 0 : i32
      %dma_start3A_28 = tpu.memref_slice %arg2[%dma_start3A, %dma_start3A_27] : memref<10000x256xf32, #tpu.memory_space<hbm>> -> memref<10000x256xf32, #tpu.memory_space<hbm>>
      tpu.enqueue_indirect_dma source(%dma_start3A_28 : memref<10000x256xf32, #tpu.memory_space<hbm>>) target(%arg9 : memref<128x256xf32, #tpu.memory_space<vmem>>) offsets(%arg7 : memref<128xi32, #tpu.memory_space<vmem>>) semaphore(%arg10 : memref<!tpu.dma_semaphore, #tpu.memory_space<semaphore_mem>>)
      %dma_wait3A = arith.constant 0 : i32
      %dma_wait3A_29 = arith.constant 0 : i32
      %dma_wait3A_30 = tpu.memref_slice %arg2[%dma_wait3A, %dma_wait3A_29] : memref<10000x256xf32, #tpu.memory_space<hbm>> -> memref<10000x256xf32, #tpu.memory_space<hbm>>
      tpu.wait_indirect_dma semaphore(%arg10 : memref<!tpu.dma_semaphore, #tpu.memory_space<semaphore_mem>>) src(%dma_wait3A_30 : memref<10000x256xf32, #tpu.memory_space<hbm>>) dst(%arg9 : memref<128x256xf32, #tpu.memory_space<vmem>>)
      %dma_start3A_31 = arith.constant 0 : i32
      %dma_start3A_32 = arith.constant 0 : i32
      %dma_start3A_33 = tpu.memref_slice %arg5[%dma_start3A_31, %dma_start3A_32] : memref<10008x256xf32, #tpu.memory_space<hbm>> -> memref<10008x256xf32, #tpu.memory_space<hbm>>
      tpu.enqueue_indirect_dma source(%arg9 : memref<128x256xf32, #tpu.memory_space<vmem>>) target(%dma_start3A_33 : memref<10008x256xf32, #tpu.memory_space<hbm>>) offsets(%arg8 : memref<128xi32, #tpu.memory_space<vmem>>) semaphore(%arg11 : memref<!tpu.dma_semaphore, #tpu.memory_space<semaphore_mem>>) {add = true}
      %dma_wait3A_34 = arith.constant 0 : i32
      %dma_wait3A_35 = arith.constant 0 : i32
      %dma_wait3A_36 = tpu.memref_slice %arg5[%dma_wait3A_34, %dma_wait3A_35] : memref<10008x256xf32, #tpu.memory_space<hbm>> -> memref<10008x256xf32, #tpu.memory_space<hbm>>
      tpu.wait_indirect_dma semaphore(%arg11 : memref<!tpu.dma_semaphore, #tpu.memory_space<semaphore_mem>>) src(%arg9 : memref<128x256xf32, #tpu.memory_space<vmem>>) dst(%dma_wait3A_36 : memref<10008x256xf32, #tpu.memory_space<hbm>>)
      %while3A_37 = arith.constant 0 : i32
      scf.yield %while3A_37 : i32
    }
    return
  }
}

#map = affine_map<(d0, d1) -> (0, 0)>
#map1 = affine_map<(d0, d1) -> (0)>
module attributes {stable_mosaic.version = 14 : i64} {
  func.func @new_body(%arg0: i32, %arg1: i32, %arg2: memref<10000x256xf32, #tpu.memory_space<hbm>>, %arg3: memref<323584xi32, #tpu.memory_space<hbm>>, %arg4: memref<323584xi32, #tpu.memory_space<hbm>>, %arg5: memref<10008x256xf32, #tpu.memory_space<hbm>>, %arg6: memref<10008x256xf32, #tpu.memory_space<hbm>>, %arg7: memref<128xi32, #tpu.memory_space<vmem>>, %arg8: memref<128xi32, #tpu.memory_space<vmem>>, %arg9: memref<128x256xf32, #tpu.memory_space<vmem>>, %arg10: memref<!tpu.dma_semaphore, #tpu.memory_space<semaphore_mem>>, %arg11: memref<!tpu.dma_semaphore, #tpu.memory_space<semaphore_mem>>) attributes {dimension_semantics = [#tpu.dimension_semantics<core_parallel>, #tpu.dimension_semantics<subcore_parallel>], iteration_bounds = array<i64: 2, 16>, scalar_prefetch = 0 : i64, scratch_operands = 5 : i64, tpu.core_type = #tpu.core_type<sc_vector_subcore>, window_params = [{transform_indices = #map}, {transform_indices = #map1}, {transform_indices = #map1}, {transform_indices = #map}, {transform_indices = #map}]} {
    %eq3A = arith.constant 0 : i32
    %eq3A_0 = arith.cmpi eq, %arg0, %eq3A : i32
    %mul3A = arith.constant 99 : i32
    %mul3A_1 = arith.muli %arg1, %mul3A : i32
    %mul3A_2 = arith.constant 59 : i32
    %mul3A_3 = arith.muli %arg1, %mul3A_2 : i32
    %add3A = arith.constant 1584 : i32
    %add3A_4 = arith.addi %add3A, %mul3A_3 : i32
    %select_n3A = arith.select %eq3A_0, %mul3A_1, %add3A_4 : i32
    %mul3A_5 = arith.constant 128 : i32
    %mul3A_6 = arith.muli %select_n3A, %mul3A_5 : i32
    %eq3A_7 = arith.constant 0 : i32
    %eq3A_8 = arith.cmpi eq, %arg0, %eq3A_7 : i32
    %jit3A = arith.constant 99 : i32
    %jit3A_9 = arith.constant 59 : i32
    %select_n3A_10 = arith.select %eq3A_8, %jit3A, %jit3A_9 : i32
    %while3A = arith.constant 0 : i32
    %while3A_11 = arith.constant 0 : i32
    %while3A_12 = arith.subi %select_n3A_10, %while3A : i32
    %while3A_13 = arith.addi %while3A, %while3A_12 : i32
    %while3A_14 = arith.constant 1 : i32
    %while3A_15 = arith.divsi %while3A_12, %while3A_14 : i32
    %while3A_16 = arith.muli %while3A_15, %while3A_14 : i32
    %while3A_17 = arith.addi %while3A, %while3A_16 : i32
    %while3A_18 = arith.constant 1 : i32
    %while3A_19 = scf.for %while3A_22 = %while3A to %while3A_17 step %while3A_18 iter_args(%while3A_23 = %while3A_11) -> (i32)  : i32 {
      %mul3A_24 = arith.constant 128 : i32
      %mul3A_25 = arith.muli %while3A_22, %mul3A_24 : i32
      %add3A_26 = arith.addi %mul3A_6, %mul3A_25 : i32
      "tpu.region"() ({
        %run_scoped3A = tpu.sem_alloc : memref<!tpu.dma_semaphore, #tpu.memory_space<semaphore_mem>>
        %dma_start3A_38 = tpu.memref_slice %arg3[%add3A_26] : memref<323584xi32, #tpu.memory_space<hbm>> -> memref<128xi32, #tpu.memory_space<hbm>>
        %dma_start3A_39 = tpu.memref_slice %arg3[%add3A_26] : memref<323584xi32, #tpu.memory_space<hbm>> -> memref<128xi32, #tpu.memory_space<hbm>>
        tpu.enqueue_dma source(%dma_start3A_39 : memref<128xi32, #tpu.memory_space<hbm>>) target(%arg7 : memref<128xi32, #tpu.memory_space<vmem>>) target_semaphore(%run_scoped3A : memref<!tpu.dma_semaphore, #tpu.memory_space<semaphore_mem>>)
        %dma_wait3A_40 = tpu.memref_slice %arg3[%add3A_26] : memref<323584xi32, #tpu.memory_space<hbm>> -> memref<128xi32, #tpu.memory_space<hbm>>
        %dma_wait3A_41 = tpu.memref_slice %arg3[%add3A_26] : memref<323584xi32, #tpu.memory_space<hbm>> -> memref<128xi32, #tpu.memory_space<hbm>>
        tpu.wait_dma2 semaphore(%run_scoped3A : memref<!tpu.dma_semaphore, #tpu.memory_space<semaphore_mem>>) src(%dma_wait3A_41 : memref<128xi32, #tpu.memory_space<hbm>>) dst(%arg7 : memref<128xi32, #tpu.memory_space<vmem>>)
        tpu.yield
      }) : () -> ()
      "tpu.region"() ({
        %run_scoped3A = tpu.sem_alloc : memref<!tpu.dma_semaphore, #tpu.memory_space<semaphore_mem>>
        %dma_start3A_38 = tpu.memref_slice %arg4[%add3A_26] : memref<323584xi32, #tpu.memory_space<hbm>> -> memref<128xi32, #tpu.memory_space<hbm>>
        %dma_start3A_39 = tpu.memref_slice %arg4[%add3A_26] : memref<323584xi32, #tpu.memory_space<hbm>> -> memref<128xi32, #tpu.memory_space<hbm>>
        tpu.enqueue_dma source(%dma_start3A_39 : memref<128xi32, #tpu.memory_space<hbm>>) target(%arg8 : memref<128xi32, #tpu.memory_space<vmem>>) target_semaphore(%run_scoped3A : memref<!tpu.dma_semaphore, #tpu.memory_space<semaphore_mem>>)
        %dma_wait3A_40 = tpu.memref_slice %arg4[%add3A_26] : memref<323584xi32, #tpu.memory_space<hbm>> -> memref<128xi32, #tpu.memory_space<hbm>>
        %dma_wait3A_41 = tpu.memref_slice %arg4[%add3A_26] : memref<323584xi32, #tpu.memory_space<hbm>> -> memref<128xi32, #tpu.memory_space<hbm>>
        tpu.wait_dma2 semaphore(%run_scoped3A : memref<!tpu.dma_semaphore, #tpu.memory_space<semaphore_mem>>) src(%dma_wait3A_41 : memref<128xi32, #tpu.memory_space<hbm>>) dst(%arg8 : memref<128xi32, #tpu.memory_space<vmem>>)
        tpu.yield
      }) : () -> ()
      %dma_start3A = arith.constant 0 : i32
      %dma_start3A_27 = arith.constant 0 : i32
      %dma_start3A_28 = tpu.memref_slice %arg2[%dma_start3A, %dma_start3A_27] : memref<10000x256xf32, #tpu.memory_space<hbm>> -> memref<10000x256xf32, #tpu.memory_space<hbm>>
      tpu.enqueue_indirect_dma source(%dma_start3A_28 : memref<10000x256xf32, #tpu.memory_space<hbm>>) target(%arg9 : memref<128x256xf32, #tpu.memory_space<vmem>>) offsets(%arg7 : memref<128xi32, #tpu.memory_space<vmem>>) semaphore(%arg10 : memref<!tpu.dma_semaphore, #tpu.memory_space<semaphore_mem>>)
      %dma_wait3A = arith.constant 0 : i32
      %dma_wait3A_29 = arith.constant 0 : i32
      %dma_wait3A_30 = tpu.memref_slice %arg2[%dma_wait3A, %dma_wait3A_29] : memref<10000x256xf32, #tpu.memory_space<hbm>> -> memref<10000x256xf32, #tpu.memory_space<hbm>>
      tpu.wait_indirect_dma semaphore(%arg10 : memref<!tpu.dma_semaphore, #tpu.memory_space<semaphore_mem>>) src(%dma_wait3A_30 : memref<10000x256xf32, #tpu.memory_space<hbm>>) dst(%arg9 : memref<128x256xf32, #tpu.memory_space<vmem>>)
      %dma_start3A_31 = arith.constant 0 : i32
      %dma_start3A_32 = arith.constant 0 : i32
      %dma_start3A_33 = tpu.memref_slice %arg5[%dma_start3A_31, %dma_start3A_32] : memref<10008x256xf32, #tpu.memory_space<hbm>> -> memref<10008x256xf32, #tpu.memory_space<hbm>>
      tpu.enqueue_indirect_dma source(%arg9 : memref<128x256xf32, #tpu.memory_space<vmem>>) target(%dma_start3A_33 : memref<10008x256xf32, #tpu.memory_space<hbm>>) offsets(%arg8 : memref<128xi32, #tpu.memory_space<vmem>>) semaphore(%arg11 : memref<!tpu.dma_semaphore, #tpu.memory_space<semaphore_mem>>) {add = true}
      %dma_wait3A_34 = arith.constant 0 : i32
      %dma_wait3A_35 = arith.constant 0 : i32
      %dma_wait3A_36 = tpu.memref_slice %arg5[%dma_wait3A_34, %dma_wait3A_35] : memref<10008x256xf32, #tpu.memory_space<hbm>> -> memref<10008x256xf32, #tpu.memory_space<hbm>>
      tpu.wait_indirect_dma semaphore(%arg11 : memref<!tpu.dma_semaphore, #tpu.memory_space<semaphore_mem>>) src(%arg9 : memref<128x256xf32, #tpu.memory_space<vmem>>) dst(%dma_wait3A_36 : memref<10008x256xf32, #tpu.memory_space<hbm>>)
      %while3A_37 = arith.constant 0 : i32
      scf.yield %while3A_37 : i32
    }
    %while3A_20 = arith.constant 1 : i32
    %while3A_21 = scf.for %while3A_22 = %while3A_17 to %while3A_13 step %while3A_20 iter_args(%while3A_23 = %while3A_19) -> (i32)  : i32 {
      %mul3A_24 = arith.constant 128 : i32
      %mul3A_25 = arith.muli %while3A_22, %mul3A_24 : i32
      %add3A_26 = arith.addi %mul3A_6, %mul3A_25 : i32
      "tpu.region"() ({
        %run_scoped3A = tpu.sem_alloc : memref<!tpu.dma_semaphore, #tpu.memory_space<semaphore_mem>>
        %dma_start3A_38 = tpu.memref_slice %arg3[%add3A_26] : memref<323584xi32, #tpu.memory_space<hbm>> -> memref<128xi32, #tpu.memory_space<hbm>>
        %dma_start3A_39 = tpu.memref_slice %arg3[%add3A_26] : memref<323584xi32, #tpu.memory_space<hbm>> -> memref<128xi32, #tpu.memory_space<hbm>>
        tpu.enqueue_dma source(%dma_start3A_39 : memref<128xi32, #tpu.memory_space<hbm>>) target(%arg7 : memref<128xi32, #tpu.memory_space<vmem>>) target_semaphore(%run_scoped3A : memref<!tpu.dma_semaphore, #tpu.memory_space<semaphore_mem>>)
        %dma_wait3A_40 = tpu.memref_slice %arg3[%add3A_26] : memref<323584xi32, #tpu.memory_space<hbm>> -> memref<128xi32, #tpu.memory_space<hbm>>
        %dma_wait3A_41 = tpu.memref_slice %arg3[%add3A_26] : memref<323584xi32, #tpu.memory_space<hbm>> -> memref<128xi32, #tpu.memory_space<hbm>>
        tpu.wait_dma2 semaphore(%run_scoped3A : memref<!tpu.dma_semaphore, #tpu.memory_space<semaphore_mem>>) src(%dma_wait3A_41 : memref<128xi32, #tpu.memory_space<hbm>>) dst(%arg7 : memref<128xi32, #tpu.memory_space<vmem>>)
        tpu.yield
      }) : () -> ()
      "tpu.region"() ({
        %run_scoped3A = tpu.sem_alloc : memref<!tpu.dma_semaphore, #tpu.memory_space<semaphore_mem>>
        %dma_start3A_38 = tpu.memref_slice %arg4[%add3A_26] : memref<323584xi32, #tpu.memory_space<hbm>> -> memref<128xi32, #tpu.memory_space<hbm>>
        %dma_start3A_39 = tpu.memref_slice %arg4[%add3A_26] : memref<323584xi32, #tpu.memory_space<hbm>> -> memref<128xi32, #tpu.memory_space<hbm>>
        tpu.enqueue_dma source(%dma_start3A_39 : memref<128xi32, #tpu.memory_space<hbm>>) target(%arg8 : memref<128xi32, #tpu.memory_space<vmem>>) target_semaphore(%run_scoped3A : memref<!tpu.dma_semaphore, #tpu.memory_space<semaphore_mem>>)
        %dma_wait3A_40 = tpu.memref_slice %arg4[%add3A_26] : memref<323584xi32, #tpu.memory_space<hbm>> -> memref<128xi32, #tpu.memory_space<hbm>>
        %dma_wait3A_41 = tpu.memref_slice %arg4[%add3A_26] : memref<323584xi32, #tpu.memory_space<hbm>> -> memref<128xi32, #tpu.memory_space<hbm>>
        tpu.wait_dma2 semaphore(%run_scoped3A : memref<!tpu.dma_semaphore, #tpu.memory_space<semaphore_mem>>) src(%dma_wait3A_41 : memref<128xi32, #tpu.memory_space<hbm>>) dst(%arg8 : memref<128xi32, #tpu.memory_space<vmem>>)
        tpu.yield
      }) : () -> ()
      %dma_start3A = arith.constant 0 : i32
      %dma_start3A_27 = arith.constant 0 : i32
      %dma_start3A_28 = tpu.memref_slice %arg2[%dma_start3A, %dma_start3A_27] : memref<10000x256xf32, #tpu.memory_space<hbm>> -> memref<10000x256xf32, #tpu.memory_space<hbm>>
      tpu.enqueue_indirect_dma source(%dma_start3A_28 : memref<10000x256xf32, #tpu.memory_space<hbm>>) target(%arg9 : memref<128x256xf32, #tpu.memory_space<vmem>>) offsets(%arg7 : memref<128xi32, #tpu.memory_space<vmem>>) semaphore(%arg10 : memref<!tpu.dma_semaphore, #tpu.memory_space<semaphore_mem>>)
      %dma_wait3A = arith.constant 0 : i32
      %dma_wait3A_29 = arith.constant 0 : i32
      %dma_wait3A_30 = tpu.memref_slice %arg2[%dma_wait3A, %dma_wait3A_29] : memref<10000x256xf32, #tpu.memory_space<hbm>> -> memref<10000x256xf32, #tpu.memory_space<hbm>>
      tpu.wait_indirect_dma semaphore(%arg10 : memref<!tpu.dma_semaphore, #tpu.memory_space<semaphore_mem>>) src(%dma_wait3A_30 : memref<10000x256xf32, #tpu.memory_space<hbm>>) dst(%arg9 : memref<128x256xf32, #tpu.memory_space<vmem>>)
      %dma_start3A_31 = arith.constant 0 : i32
      %dma_start3A_32 = arith.constant 0 : i32
      %dma_start3A_33 = tpu.memref_slice %arg5[%dma_start3A_31, %dma_start3A_32] : memref<10008x256xf32, #tpu.memory_space<hbm>> -> memref<10008x256xf32, #tpu.memory_space<hbm>>
      tpu.enqueue_indirect_dma source(%arg9 : memref<128x256xf32, #tpu.memory_space<vmem>>) target(%dma_start3A_33 : memref<10008x256xf32, #tpu.memory_space<hbm>>) offsets(%arg8 : memref<128xi32, #tpu.memory_space<vmem>>) semaphore(%arg11 : memref<!tpu.dma_semaphore, #tpu.memory_space<semaphore_mem>>) {add = true}
      %dma_wait3A_34 = arith.constant 0 : i32
      %dma_wait3A_35 = arith.constant 0 : i32
      %dma_wait3A_36 = tpu.memref_slice %arg5[%dma_wait3A_34, %dma_wait3A_35] : memref<10008x256xf32, #tpu.memory_space<hbm>> -> memref<10008x256xf32, #tpu.memory_space<hbm>>
      tpu.wait_indirect_dma semaphore(%arg11 : memref<!tpu.dma_semaphore, #tpu.memory_space<semaphore_mem>>) src(%arg9 : memref<128x256xf32, #tpu.memory_space<vmem>>) dst(%dma_wait3A_36 : memref<10008x256xf32, #tpu.memory_space<hbm>>)
      %while3A_37 = arith.constant 0 : i32
      scf.yield %while3A_37 : i32
    }
    return
  }
}

#map = affine_map<(d0, d1) -> (0, 0)>
#map1 = affine_map<(d0, d1) -> (0)>
module attributes {stable_mosaic.version = 14 : i64} {
  func.func @new_body(%arg0: i32, %arg1: i32, %arg2: memref<10000x256xf32, #tpu.memory_space<hbm>>, %arg3: memref<323584xi32, #tpu.memory_space<hbm>>, %arg4: memref<323584xi32, #tpu.memory_space<hbm>>, %arg5: memref<10008x256xf32, #tpu.memory_space<hbm>>, %arg6: memref<10008x256xf32, #tpu.memory_space<hbm>>, %arg7: memref<128xi32, #tpu.memory_space<vmem>>, %arg8: memref<128xi32, #tpu.memory_space<vmem>>, %arg9: memref<128x256xf32, #tpu.memory_space<vmem>>, %arg10: memref<!tpu.dma_semaphore, #tpu.memory_space<semaphore_mem>>, %arg11: memref<!tpu.dma_semaphore, #tpu.memory_space<semaphore_mem>>) attributes {dimension_semantics = [#tpu.dimension_semantics<core_parallel>, #tpu.dimension_semantics<subcore_parallel>], iteration_bounds = array<i64: 2, 16>, scalar_prefetch = 0 : i64, scratch_operands = 5 : i64, tpu.core_type = #tpu.core_type<sc_vector_subcore>, window_params = [{transform_indices = #map}, {transform_indices = #map1}, {transform_indices = #map1}, {transform_indices = #map}, {transform_indices = #map}]} {
    %eq3A = arith.constant 0 : i32
    %eq3A_0 = arith.cmpi eq, %arg0, %eq3A : i32
    %mul3A = arith.constant 99 : i32
    %mul3A_1 = arith.muli %arg1, %mul3A : i32
    %mul3A_2 = arith.constant 59 : i32
    %mul3A_3 = arith.muli %arg1, %mul3A_2 : i32
    %add3A = arith.constant 1584 : i32
    %add3A_4 = arith.addi %add3A, %mul3A_3 : i32
    %select_n3A = arith.select %eq3A_0, %mul3A_1, %add3A_4 : i32
    %mul3A_5 = arith.constant 128 : i32
    %mul3A_6 = arith.muli %select_n3A, %mul3A_5 : i32
    %eq3A_7 = arith.constant 0 : i32
    %eq3A_8 = arith.cmpi eq, %arg0, %eq3A_7 : i32
    %jit3A = arith.constant 99 : i32
    %jit3A_9 = arith.constant 59 : i32
    %select_n3A_10 = arith.select %eq3A_8, %jit3A, %jit3A_9 : i32
    %while3A = arith.constant 0 : i32
    %while3A_11 = arith.constant 0 : i32
    %while3A_12 = arith.subi %select_n3A_10, %while3A : i32
    %while3A_13 = arith.addi %while3A, %while3A_12 : i32
    %while3A_14 = arith.constant 1 : i32
    %while3A_15 = arith.divsi %while3A_12, %while3A_14 : i32
    %while3A_16 = arith.muli %while3A_15, %while3A_14 : i32
    %while3A_17 = arith.addi %while3A, %while3A_16 : i32
    %while3A_18 = arith.constant 1 : i32
    %while3A_19 = scf.for %while3A_22 = %while3A to %while3A_17 step %while3A_18 iter_args(%while3A_23 = %while3A_11) -> (i32)  : i32 {
      %mul3A_24 = arith.constant 128 : i32
      %mul3A_25 = arith.muli %while3A_22, %mul3A_24 : i32
      %add3A_26 = arith.addi %mul3A_6, %mul3A_25 : i32
      "tpu.region"() ({
        %run_scoped3A = tpu.sem_alloc : memref<!tpu.dma_semaphore, #tpu.memory_space<semaphore_mem>>
        %dma_start3A_38 = tpu.memref_slice %arg3[%add3A_26] : memref<323584xi32, #tpu.memory_space<hbm>> -> memref<128xi32, #tpu.memory_space<hbm>>
        %dma_start3A_39 = tpu.memref_slice %arg3[%add3A_26] : memref<323584xi32, #tpu.memory_space<hbm>> -> memref<128xi32, #tpu.memory_space<hbm>>
        tpu.enqueue_dma source(%dma_start3A_39 : memref<128xi32, #tpu.memory_space<hbm>>) target(%arg7 : memref<128xi32, #tpu.memory_space<vmem>>) target_semaphore(%run_scoped3A : memref<!tpu.dma_semaphore, #tpu.memory_space<semaphore_mem>>)
        %dma_wait3A_40 = tpu.memref_slice %arg3[%add3A_26] : memref<323584xi32, #tpu.memory_space<hbm>> -> memref<128xi32, #tpu.memory_space<hbm>>
        %dma_wait3A_41 = tpu.memref_slice %arg3[%add3A_26] : memref<323584xi32, #tpu.memory_space<hbm>> -> memref<128xi32, #tpu.memory_space<hbm>>
        tpu.wait_dma2 semaphore(%run_scoped3A : memref<!tpu.dma_semaphore, #tpu.memory_space<semaphore_mem>>) src(%dma_wait3A_41 : memref<128xi32, #tpu.memory_space<hbm>>) dst(%arg7 : memref<128xi32, #tpu.memory_space<vmem>>)
        tpu.yield
      }) : () -> ()
      "tpu.region"() ({
        %run_scoped3A = tpu.sem_alloc : memref<!tpu.dma_semaphore, #tpu.memory_space<semaphore_mem>>
        %dma_start3A_38 = tpu.memref_slice %arg4[%add3A_26] : memref<323584xi32, #tpu.memory_space<hbm>> -> memref<128xi32, #tpu.memory_space<hbm>>
        %dma_start3A_39 = tpu.memref_slice %arg4[%add3A_26] : memref<323584xi32, #tpu.memory_space<hbm>> -> memref<128xi32, #tpu.memory_space<hbm>>
        tpu.enqueue_dma source(%dma_start3A_39 : memref<128xi32, #tpu.memory_space<hbm>>) target(%arg8 : memref<128xi32, #tpu.memory_space<vmem>>) target_semaphore(%run_scoped3A : memref<!tpu.dma_semaphore, #tpu.memory_space<semaphore_mem>>)
        %dma_wait3A_40 = tpu.memref_slice %arg4[%add3A_26] : memref<323584xi32, #tpu.memory_space<hbm>> -> memref<128xi32, #tpu.memory_space<hbm>>
        %dma_wait3A_41 = tpu.memref_slice %arg4[%add3A_26] : memref<323584xi32, #tpu.memory_space<hbm>> -> memref<128xi32, #tpu.memory_space<hbm>>
        tpu.wait_dma2 semaphore(%run_scoped3A : memref<!tpu.dma_semaphore, #tpu.memory_space<semaphore_mem>>) src(%dma_wait3A_41 : memref<128xi32, #tpu.memory_space<hbm>>) dst(%arg8 : memref<128xi32, #tpu.memory_space<vmem>>)
        tpu.yield
      }) : () -> ()
      %dma_start3A = arith.constant 0 : i32
      %dma_start3A_27 = arith.constant 0 : i32
      %dma_start3A_28 = tpu.memref_slice %arg2[%dma_start3A, %dma_start3A_27] : memref<10000x256xf32, #tpu.memory_space<hbm>> -> memref<10000x256xf32, #tpu.memory_space<hbm>>
      tpu.enqueue_indirect_dma source(%dma_start3A_28 : memref<10000x256xf32, #tpu.memory_space<hbm>>) target(%arg9 : memref<128x256xf32, #tpu.memory_space<vmem>>) offsets(%arg7 : memref<128xi32, #tpu.memory_space<vmem>>) semaphore(%arg10 : memref<!tpu.dma_semaphore, #tpu.memory_space<semaphore_mem>>)
      %dma_wait3A = arith.constant 0 : i32
      %dma_wait3A_29 = arith.constant 0 : i32
      %dma_wait3A_30 = tpu.memref_slice %arg2[%dma_wait3A, %dma_wait3A_29] : memref<10000x256xf32, #tpu.memory_space<hbm>> -> memref<10000x256xf32, #tpu.memory_space<hbm>>
      tpu.wait_indirect_dma semaphore(%arg10 : memref<!tpu.dma_semaphore, #tpu.memory_space<semaphore_mem>>) src(%dma_wait3A_30 : memref<10000x256xf32, #tpu.memory_space<hbm>>) dst(%arg9 : memref<128x256xf32, #tpu.memory_space<vmem>>)
      %dma_start3A_31 = arith.constant 0 : i32
      %dma_start3A_32 = arith.constant 0 : i32
      %dma_start3A_33 = tpu.memref_slice %arg5[%dma_start3A_31, %dma_start3A_32] : memref<10008x256xf32, #tpu.memory_space<hbm>> -> memref<10008x256xf32, #tpu.memory_space<hbm>>
      tpu.enqueue_indirect_dma source(%arg9 : memref<128x256xf32, #tpu.memory_space<vmem>>) target(%dma_start3A_33 : memref<10008x256xf32, #tpu.memory_space<hbm>>) offsets(%arg8 : memref<128xi32, #tpu.memory_space<vmem>>) semaphore(%arg11 : memref<!tpu.dma_semaphore, #tpu.memory_space<semaphore_mem>>) {add = true}
      %dma_wait3A_34 = arith.constant 0 : i32
      %dma_wait3A_35 = arith.constant 0 : i32
      %dma_wait3A_36 = tpu.memref_slice %arg5[%dma_wait3A_34, %dma_wait3A_35] : memref<10008x256xf32, #tpu.memory_space<hbm>> -> memref<10008x256xf32, #tpu.memory_space<hbm>>
      tpu.wait_indirect_dma semaphore(%arg11 : memref<!tpu.dma_semaphore, #tpu.memory_space<semaphore_mem>>) src(%arg9 : memref<128x256xf32, #tpu.memory_space<vmem>>) dst(%dma_wait3A_36 : memref<10008x256xf32, #tpu.memory_space<hbm>>)
      %while3A_37 = arith.constant 0 : i32
      scf.yield %while3A_37 : i32
    }
    %while3A_20 = arith.constant 1 : i32
    %while3A_21 = scf.for %while3A_22 = %while3A_17 to %while3A_13 step %while3A_20 iter_args(%while3A_23 = %while3A_19) -> (i32)  : i32 {
      %mul3A_24 = arith.constant 128 : i32
      %mul3A_25 = arith.muli %while3A_22, %mul3A_24 : i32
      %add3A_26 = arith.addi %mul3A_6, %mul3A_25 : i32
      "tpu.region"() ({
        %run_scoped3A = tpu.sem_alloc : memref<!tpu.dma_semaphore, #tpu.memory_space<semaphore_mem>>
        %dma_start3A_38 = tpu.memref_slice %arg3[%add3A_26] : memref<323584xi32, #tpu.memory_space<hbm>> -> memref<128xi32, #tpu.memory_space<hbm>>
        %dma_start3A_39 = tpu.memref_slice %arg3[%add3A_26] : memref<323584xi32, #tpu.memory_space<hbm>> -> memref<128xi32, #tpu.memory_space<hbm>>
        tpu.enqueue_dma source(%dma_start3A_39 : memref<128xi32, #tpu.memory_space<hbm>>) target(%arg7 : memref<128xi32, #tpu.memory_space<vmem>>) target_semaphore(%run_scoped3A : memref<!tpu.dma_semaphore, #tpu.memory_space<semaphore_mem>>)
        %dma_wait3A_40 = tpu.memref_slice %arg3[%add3A_26] : memref<323584xi32, #tpu.memory_space<hbm>> -> memref<128xi32, #tpu.memory_space<hbm>>
        %dma_wait3A_41 = tpu.memref_slice %arg3[%add3A_26] : memref<323584xi32, #tpu.memory_space<hbm>> -> memref<128xi32, #tpu.memory_space<hbm>>
        tpu.wait_dma2 semaphore(%run_scoped3A : memref<!tpu.dma_semaphore, #tpu.memory_space<semaphore_mem>>) src(%dma_wait3A_41 : memref<128xi32, #tpu.memory_space<hbm>>) dst(%arg7 : memref<128xi32, #tpu.memory_space<vmem>>)
        tpu.yield
      }) : () -> ()
      "tpu.region"() ({
        %run_scoped3A = tpu.sem_alloc : memref<!tpu.dma_semaphore, #tpu.memory_space<semaphore_mem>>
        %dma_start3A_38 = tpu.memref_slice %arg4[%add3A_26] : memref<323584xi32, #tpu.memory_space<hbm>> -> memref<128xi32, #tpu.memory_space<hbm>>
        %dma_start3A_39 = tpu.memref_slice %arg4[%add3A_26] : memref<323584xi32, #tpu.memory_space<hbm>> -> memref<128xi32, #tpu.memory_space<hbm>>
        tpu.enqueue_dma source(%dma_start3A_39 : memref<128xi32, #tpu.memory_space<hbm>>) target(%arg8 : memref<128xi32, #tpu.memory_space<vmem>>) target_semaphore(%run_scoped3A : memref<!tpu.dma_semaphore, #tpu.memory_space<semaphore_mem>>)
        %dma_wait3A_40 = tpu.memref_slice %arg4[%add3A_26] : memref<323584xi32, #tpu.memory_space<hbm>> -> memref<128xi32, #tpu.memory_space<hbm>>
        %dma_wait3A_41 = tpu.memref_slice %arg4[%add3A_26] : memref<323584xi32, #tpu.memory_space<hbm>> -> memref<128xi32, #tpu.memory_space<hbm>>
        tpu.wait_dma2 semaphore(%run_scoped3A : memref<!tpu.dma_semaphore, #tpu.memory_space<semaphore_mem>>) src(%dma_wait3A_41 : memref<128xi32, #tpu.memory_space<hbm>>) dst(%arg8 : memref<128xi32, #tpu.memory_space<vmem>>)
        tpu.yield
      }) : () -> ()
      %dma_start3A = arith.constant 0 : i32
      %dma_start3A_27 = arith.constant 0 : i32
      %dma_start3A_28 = tpu.memref_slice %arg2[%dma_start3A, %dma_start3A_27] : memref<10000x256xf32, #tpu.memory_space<hbm>> -> memref<10000x256xf32, #tpu.memory_space<hbm>>
      tpu.enqueue_indirect_dma source(%dma_start3A_28 : memref<10000x256xf32, #tpu.memory_space<hbm>>) target(%arg9 : memref<128x256xf32, #tpu.memory_space<vmem>>) offsets(%arg7 : memref<128xi32, #tpu.memory_space<vmem>>) semaphore(%arg10 : memref<!tpu.dma_semaphore, #tpu.memory_space<semaphore_mem>>)
      %dma_wait3A = arith.constant 0 : i32
      %dma_wait3A_29 = arith.constant 0 : i32
      %dma_wait3A_30 = tpu.memref_slice %arg2[%dma_wait3A, %dma_wait3A_29] : memref<10000x256xf32, #tpu.memory_space<hbm>> -> memref<10000x256xf32, #tpu.memory_space<hbm>>
      tpu.wait_indirect_dma semaphore(%arg10 : memref<!tpu.dma_semaphore, #tpu.memory_space<semaphore_mem>>) src(%dma_wait3A_30 : memref<10000x256xf32, #tpu.memory_space<hbm>>) dst(%arg9 : memref<128x256xf32, #tpu.memory_space<vmem>>)
      %dma_start3A_31 = arith.constant 0 : i32
      %dma_start3A_32 = arith.constant 0 : i32
      %dma_start3A_33 = tpu.memref_slice %arg5[%dma_start3A_31, %dma_start3A_32] : memref<10008x256xf32, #tpu.memory_space<hbm>> -> memref<10008x256xf32, #tpu.memory_space<hbm>>
      tpu.enqueue_indirect_dma source(%arg9 : memref<128x256xf32, #tpu.memory_space<vmem>>) target(%dma_start3A_33 : memref<10008x256xf32, #tpu.memory_space<hbm>>) offsets(%arg8 : memref<128xi32, #tpu.memory_space<vmem>>) semaphore(%arg11 : memref<!tpu.dma_semaphore, #tpu.memory_space<semaphore_mem>>) {add = true}
      %dma_wait3A_34 = arith.constant 0 : i32
      %dma_wait3A_35 = arith.constant 0 : i32
      %dma_wait3A_36 = tpu.memref_slice %arg5[%dma_wait3A_34, %dma_wait3A_35] : memref<10008x256xf32, #tpu.memory_space<hbm>> -> memref<10008x256xf32, #tpu.memory_space<hbm>>
      tpu.wait_indirect_dma semaphore(%arg11 : memref<!tpu.dma_semaphore, #tpu.memory_space<semaphore_mem>>) src(%arg9 : memref<128x256xf32, #tpu.memory_space<vmem>>) dst(%dma_wait3A_36 : memref<10008x256xf32, #tpu.memory_space<hbm>>)
      %while3A_37 = arith.constant 0 : i32
      scf.yield %while3A_37 : i32
    }
    return
  }
}

module attributes {stable_mosaic.version = 14 : i64} {
  func.func @body(%arg0: memref<32x10016xf32, #tpu.memory_space<vmem>>, %arg1: memref<1x10016xf32, #tpu.memory_space<vmem>>) attributes {dimension_semantics = [], scalar_prefetch = 0 : i64, scratch_operands = 0 : i64, tpu.core_type = #tpu.core_type<tc>} {
    %get3A = arith.constant 0 : index
    %get3A_0 = arith.constant 0 : index
    %get3A_1 = vector.load %arg0[%get3A, %get3A_0] : memref<32x10016xf32, #tpu.memory_space<vmem>>, vector<32x10016xf32>
    %reduce_sum3A = arith.constant dense<0.000000e+00> : vector<10016xf32>
    %reduce_sum3A_2 = vector.multi_reduction <add>, %get3A_1, %reduce_sum3A [0] : vector<32x10016xf32> to vector<10016xf32>
    %broadcast_in_dim3A = vector.shape_cast %reduce_sum3A_2 : vector<10016xf32> to vector<1x10016xf32>
    %add3A = arith.constant 1.000000e+00 : f32
    %add3A_3 = vector.broadcast %add3A : f32 to vector<1x10016xf32>
    %add3A_4 = arith.addf %broadcast_in_dim3A, %add3A_3 : vector<1x10016xf32>
    %rsqrt3A = math.rsqrt %add3A_4 : vector<1x10016xf32>
    %swap3A = arith.constant 0 : index
    %swap3A_5 = arith.constant 0 : index
    %swap3A_6 = vector.load %arg1[%swap3A, %swap3A_5] : memref<1x10016xf32, #tpu.memory_space<vmem>>, vector<1x10016xf32>
    tpu.vector_store %arg1[%swap3A, %swap3A_5], %rsqrt3A {strides = array<i32>} : memref<1x10016xf32, #tpu.memory_space<vmem>>, vector<1x10016xf32>,
    return
  }
}

module attributes {stable_mosaic.version = 14 : i64} {
  func.func @body(%arg0: i32, %arg1: memref<2000x1xf32, #tpu.memory_space<vmem>>, %arg2: memref<2000x128xf32, #tpu.memory_space<vmem>>, %arg3: memref<128x256xf32, #tpu.memory_space<vmem>>, %arg4: memref<1x128xf32, #tpu.memory_space<vmem>>, %arg5: memref<2000x256xf32, #tpu.memory_space<vmem>>) attributes {dimension_semantics = [#tpu.dimension_semantics<arbitrary>], iteration_bounds = array<i64: 5>, scalar_prefetch = 0 : i64, scratch_operands = 0 : i64, tpu.core_type = #tpu.core_type<tc>, window_params = [{transform_indices = @transform_0, window_bounds = array<i64: 2000, 1>}, {transform_indices = @transform_1, window_bounds = array<i64: 2000, 128>}, {pipeline_mode = #tpu.pipeline_mode<synchronous>, transform_indices = @transform_2, window_bounds = array<i64: 128, 256>}, {pipeline_mode = #tpu.pipeline_mode<synchronous>, transform_indices = @transform_3, window_bounds = array<i64: 1, 128>}, {transform_indices = @transform_4, window_bounds = array<i64: 2000, 256>}]} {
    %get3A = arith.constant 0 : index
    %get3A_0 = arith.constant 0 : index
    %get3A_1 = vector.load %arg2[%get3A, %get3A_0] : memref<2000x128xf32, #tpu.memory_space<vmem>>, vector<2000x128xf32>
    %get3A_2 = arith.constant 0 : index
    %get3A_3 = arith.constant 0 : index
    %get3A_4 = vector.load %arg1[%get3A_2, %get3A_3] : memref<2000x1xf32, #tpu.memory_space<vmem>>, vector<2000x1xf32>
    %mul3A = vector.broadcast %get3A_4 : vector<2000x1xf32> to vector<2000x128xf32>
    %mul3A_5 = arith.mulf %mul3A, %get3A_1 : vector<2000x128xf32>
    %get3A_6 = arith.constant 0 : index
    %get3A_7 = arith.constant 0 : index
    %get3A_8 = vector.load %arg3[%get3A_6, %get3A_7] : memref<128x256xf32, #tpu.memory_space<vmem>>, vector<128x256xf32>
    %dot_general3A = arith.constant dense<0.000000e+00> : vector<2000x256xf32>
    %dot_general3A_9 = tpu.matmul %mul3A_5, %get3A_8, %dot_general3A {dimension_numbers = #tpu.dot_dimension_numbers<[1], [0], [0], [1], [0, 0, 1, 1], [], []>, transpose_lhs_hint = false} : vector<2000x128xf32>, vector<128x256xf32>, vector<2000x256xf32> -> vector<2000x256xf32>
    %swap3A = arith.constant 0 : index
    %swap3A_10 = arith.constant 0 : index
    %swap3A_11 = vector.load %arg5[%swap3A, %swap3A_10] : memref<2000x256xf32, #tpu.memory_space<vmem>>, vector<2000x256xf32>
    tpu.vector_store %arg5[%swap3A, %swap3A_10], %dot_general3A_9 {strides = array<i32>} : memref<2000x256xf32, #tpu.memory_space<vmem>>, vector<2000x256xf32>,
    return
  }
  func.func @transform_0(%arg0: i32) -> (i32, i32) {
    %c0_i32 = arith.constant 0 : i32
    %c0_i32_0 = arith.constant 0 : i32
    return %arg0, %c0_i32 : i32, i32
  }
  func.func @transform_1(%arg0: i32) -> (i32, i32) {
    %c0_i32 = arith.constant 0 : i32
    %c0_i32_0 = arith.constant 0 : i32
    return %arg0, %c0_i32 : i32, i32
  }
  func.func @transform_2(%arg0: i32) -> (i32, i32) {
    %c0_i32 = arith.constant 0 : i32
    %c0_i32_0 = arith.constant 0 : i32
    %c0_i32_1 = arith.constant 0 : i32
    return %c0_i32, %c0_i32_0 : i32, i32
  }
  func.func @transform_3(%arg0: i32) -> (i32, i32) {
    %c0_i32 = arith.constant 0 : i32
    %c0_i32_0 = arith.constant 0 : i32
    %c0_i32_1 = arith.constant 0 : i32
    return %c0_i32, %c0_i32_0 : i32, i32
  }
  func.func @transform_4(%arg0: i32) -> (i32, i32) {
    %c0_i32 = arith.constant 0 : i32
    %c0_i32_0 = arith.constant 0 : i32
    return %arg0, %c0_i32 : i32, i32
  }
}

module attributes {stable_mosaic.version = 14 : i64} {
  func.func @body(%arg0: i32, %arg1: memref<2000x1xf32, #tpu.memory_space<vmem>>, %arg2: memref<2000x256xf32, #tpu.memory_space<vmem>>, %arg3: memref<256x256xf32, #tpu.memory_space<vmem>>, %arg4: memref<1x256xf32, #tpu.memory_space<vmem>>, %arg5: memref<2000x256xf32, #tpu.memory_space<vmem>>) attributes {dimension_semantics = [#tpu.dimension_semantics<arbitrary>], iteration_bounds = array<i64: 5>, scalar_prefetch = 0 : i64, scratch_operands = 0 : i64, tpu.core_type = #tpu.core_type<tc>, window_params = [{transform_indices = @transform_0, window_bounds = array<i64: 2000, 1>}, {transform_indices = @transform_1, window_bounds = array<i64: 2000, 256>}, {pipeline_mode = #tpu.pipeline_mode<synchronous>, transform_indices = @transform_2, window_bounds = array<i64: 256, 256>}, {pipeline_mode = #tpu.pipeline_mode<synchronous>, transform_indices = @transform_3, window_bounds = array<i64: 1, 256>}, {transform_indices = @transform_4, window_bounds = array<i64: 2000, 256>}]} {
    %get3A = arith.constant 0 : index
    %get3A_0 = arith.constant 0 : index
    %get3A_1 = vector.load %arg2[%get3A, %get3A_0] : memref<2000x256xf32, #tpu.memory_space<vmem>>, vector<2000x256xf32>
    %get3A_2 = arith.constant 0 : index
    %get3A_3 = arith.constant 0 : index
    %get3A_4 = vector.load %arg1[%get3A_2, %get3A_3] : memref<2000x1xf32, #tpu.memory_space<vmem>>, vector<2000x1xf32>
    %mul3A = vector.broadcast %get3A_4 : vector<2000x1xf32> to vector<2000x256xf32>
    %mul3A_5 = arith.mulf %mul3A, %get3A_1 : vector<2000x256xf32>
    %get3A_6 = arith.constant 0 : index
    %get3A_7 = arith.constant 0 : index
    %get3A_8 = vector.load %arg4[%get3A_6, %get3A_7] : memref<1x256xf32, #tpu.memory_space<vmem>>, vector<1x256xf32>
    %add3A = vector.broadcast %get3A_8 : vector<1x256xf32> to vector<2000x256xf32>
    %add3A_9 = arith.addf %mul3A_5, %add3A : vector<2000x256xf32>
    %max3A = arith.constant 0.000000e+00 : f32
    %max3A_10 = vector.broadcast %max3A : f32 to vector<2000x256xf32>
    %max3A_11 = arith.maximumf %add3A_9, %max3A_10 : vector<2000x256xf32>
    %mul3A_12 = vector.broadcast %get3A_4 : vector<2000x1xf32> to vector<2000x256xf32>
    %mul3A_13 = arith.mulf %mul3A_12, %max3A_11 : vector<2000x256xf32>
    %get3A_14 = arith.constant 0 : index
    %get3A_15 = arith.constant 0 : index
    %get3A_16 = vector.load %arg3[%get3A_14, %get3A_15] : memref<256x256xf32, #tpu.memory_space<vmem>>, vector<256x256xf32>
    %dot_general3A = arith.constant dense<0.000000e+00> : vector<2000x256xf32>
    %dot_general3A_17 = tpu.matmul %mul3A_13, %get3A_16, %dot_general3A {dimension_numbers = #tpu.dot_dimension_numbers<[1], [0], [0], [1], [0, 0, 1, 1], [], []>, transpose_lhs_hint = false} : vector<2000x256xf32>, vector<256x256xf32>, vector<2000x256xf32> -> vector<2000x256xf32>
    %swap3A = arith.constant 0 : index
    %swap3A_18 = arith.constant 0 : index
    %swap3A_19 = vector.load %arg5[%swap3A, %swap3A_18] : memref<2000x256xf32, #tpu.memory_space<vmem>>, vector<2000x256xf32>
    tpu.vector_store %arg5[%swap3A, %swap3A_18], %dot_general3A_17 {strides = array<i32>} : memref<2000x256xf32, #tpu.memory_space<vmem>>, vector<2000x256xf32>,
    return
  }
  func.func @transform_0(%arg0: i32) -> (i32, i32) {
    %c0_i32 = arith.constant 0 : i32
    %c0_i32_0 = arith.constant 0 : i32
    return %arg0, %c0_i32 : i32, i32
  }
  func.func @transform_1(%arg0: i32) -> (i32, i32) {
    %c0_i32 = arith.constant 0 : i32
    %c0_i32_0 = arith.constant 0 : i32
    return %arg0, %c0_i32 : i32, i32
  }
  func.func @transform_2(%arg0: i32) -> (i32, i32) {
    %c0_i32 = arith.constant 0 : i32
    %c0_i32_0 = arith.constant 0 : i32
    %c0_i32_1 = arith.constant 0 : i32
    return %c0_i32, %c0_i32_0 : i32, i32
  }
  func.func @transform_3(%arg0: i32) -> (i32, i32) {
    %c0_i32 = arith.constant 0 : i32
    %c0_i32_0 = arith.constant 0 : i32
    %c0_i32_1 = arith.constant 0 : i32
    return %c0_i32, %c0_i32_0 : i32, i32
  }
  func.func @transform_4(%arg0: i32) -> (i32, i32) {
    %c0_i32 = arith.constant 0 : i32
    %c0_i32_0 = arith.constant 0 : i32
    return %arg0, %c0_i32 : i32, i32
  }
}

module attributes {stable_mosaic.version = 14 : i64} {
  func.func @body(%arg0: memref<10000x1xf32, #tpu.memory_space<vmem>>, %arg1: memref<10000x256xf32, #tpu.memory_space<vmem>>, %arg2: memref<256x1xf32, #tpu.memory_space<vmem>>, %arg3: memref<1x256xf32, #tpu.memory_space<vmem>>, %arg4: memref<1x1xf32, #tpu.memory_space<vmem>>, %arg5: memref<10000x1xi32, #tpu.memory_space<vmem>>, %arg6: memref<10000x1xf32, #tpu.memory_space<vmem>>, %arg7: memref<10000x1xf32, #tpu.memory_space<vmem>>) attributes {dimension_semantics = [], scalar_prefetch = 0 : i64, scratch_operands = 0 : i64, tpu.core_type = #tpu.core_type<tc>} {
    %get3A = arith.constant 0 : index
    %get3A_0 = arith.constant 0 : index
    %get3A_1 = vector.load %arg0[%get3A, %get3A_0] : memref<10000x1xf32, #tpu.memory_space<vmem>>, vector<10000x1xf32>
    %get3A_2 = arith.constant 0 : index
    %get3A_3 = arith.constant 0 : index
    %get3A_4 = vector.load %arg1[%get3A_2, %get3A_3] : memref<10000x256xf32, #tpu.memory_space<vmem>>, vector<10000x256xf32>
    %mul3A = vector.broadcast %get3A_1 : vector<10000x1xf32> to vector<10000x256xf32>
    %mul3A_5 = arith.mulf %mul3A, %get3A_4 : vector<10000x256xf32>
    %get3A_6 = arith.constant 0 : index
    %get3A_7 = arith.constant 0 : index
    %get3A_8 = vector.load %arg3[%get3A_6, %get3A_7] : memref<1x256xf32, #tpu.memory_space<vmem>>, vector<1x256xf32>
    %add3A = vector.broadcast %get3A_8 : vector<1x256xf32> to vector<10000x256xf32>
    %add3A_9 = arith.addf %mul3A_5, %add3A : vector<10000x256xf32>
    %max3A = arith.constant 0.000000e+00 : f32
    %max3A_10 = vector.broadcast %max3A : f32 to vector<10000x256xf32>
    %max3A_11 = arith.maximumf %add3A_9, %max3A_10 : vector<10000x256xf32>
    %get3A_12 = arith.constant 0 : index
    %get3A_13 = arith.constant 0 : index
    %get3A_14 = vector.load %arg2[%get3A_12, %get3A_13] : memref<256x1xf32, #tpu.memory_space<vmem>>, vector<256x1xf32>
    %dot_general3A = arith.constant dense<0.000000e+00> : vector<10000x1xf32>
    %dot_general3A_15 = tpu.matmul %max3A_11, %get3A_14, %dot_general3A {dimension_numbers = #tpu.dot_dimension_numbers<[1], [0], [0], [1], [0, 0, 1, 1], [], []>, transpose_lhs_hint = false} : vector<10000x256xf32>, vector<256x1xf32>, vector<10000x1xf32> -> vector<10000x1xf32>
    %get3A_16 = arith.constant 0 : index
    %get3A_17 = arith.constant 0 : index
    %get3A_18 = vector.load %arg4[%get3A_16, %get3A_17] : memref<1x1xf32, #tpu.memory_space<vmem>>, vector<1x1xf32>
    %add3A_19 = vector.broadcast %get3A_18 : vector<1x1xf32> to vector<10000x1xf32>
    %add3A_20 = arith.addf %dot_general3A_15, %add3A_19 : vector<10000x1xf32>
    %get3A_21 = arith.constant 0 : index
    %get3A_22 = arith.constant 0 : index
    %get3A_23 = vector.load %arg5[%get3A_21, %get3A_22] : memref<10000x1xi32, #tpu.memory_space<vmem>>, vector<10000x1xi32>
    %get3A_24 = arith.constant 0 : index
    %get3A_25 = arith.constant 0 : index
    %get3A_26 = vector.load %arg6[%get3A_24, %get3A_25] : memref<10000x1xf32, #tpu.memory_space<vmem>>, vector<10000x1xf32>
    %gt3A = arith.constant 0.000000e+00 : f32
    %gt3A_27 = vector.broadcast %gt3A : f32 to vector<10000x1xf32>
    %gt3A_28 = arith.cmpf ogt, %get3A_26, %gt3A_27 : vector<10000x1xf32>
    %jit3A = arith.constant -1.000000e+30 : f32
    %broadcast_in_dim3A = vector.broadcast %jit3A : f32 to vector<10000x1xf32>
    %select_n3A = arith.select %gt3A_28, %add3A_20, %broadcast_in_dim3A : vector<10000x1xi1>, vector<10000x1xf32>
    %iota3A = tpu.iota {dimensions = array<i32: 1>} : vector<1x32xi32>
    %eq3A = vector.broadcast %get3A_23 : vector<10000x1xi32> to vector<10000x32xi32>
    %eq3A_29 = vector.broadcast %iota3A : vector<1x32xi32> to vector<10000x32xi32>
    %eq3A_30 = arith.cmpi eq, %eq3A, %eq3A_29 : vector<10000x32xi32>
    %jit3A_31 = arith.constant -1.000000e+30 : f32
    %broadcast_in_dim3A_32 = vector.shape_cast %select_n3A : vector<10000x1xf32> to vector<10000x1xf32>
    %broadcast_in_dim3A_33 = vector.broadcast %broadcast_in_dim3A_32 : vector<10000x1xf32> to vector<10000x32xf32>
    %broadcast_in_dim3A_34 = vector.broadcast %jit3A_31 : f32 to vector<10000x32xf32>
    %select_n3A_35 = arith.select %eq3A_30, %broadcast_in_dim3A_33, %broadcast_in_dim3A_34 : vector<10000x32xi1>, vector<10000x32xf32>
    %reduce_max3A = arith.constant dense<0xFF800000> : vector<32xf32>
    %reduce_max3A_36 = vector.multi_reduction <maximumf>, %select_n3A_35, %reduce_max3A [0] : vector<10000x32xf32> to vector<32xf32>
    %broadcast_in_dim3A_37 = vector.shape_cast %reduce_max3A_36 : vector<32xf32> to vector<1x32xf32>
    %gt3A_38 = arith.constant -1.000000e+29 : f32
    %gt3A_39 = vector.broadcast %gt3A_38 : f32 to vector<1x32xf32>
    %gt3A_40 = arith.cmpf ogt, %broadcast_in_dim3A_37, %gt3A_39 : vector<1x32xf32>
    %jit3A_41 = arith.constant 0.000000e+00 : f32
    %broadcast_in_dim3A_42 = vector.broadcast %jit3A_41 : f32 to vector<1x32xf32>
    %select_n3A_43 = arith.select %gt3A_40, %broadcast_in_dim3A_37, %broadcast_in_dim3A_42 : vector<1x32xi1>, vector<1x32xf32>
    %jit3A_44 = arith.constant 0.000000e+00 : f32
    %broadcast_in_dim3A_45 = vector.shape_cast %select_n3A_43 : vector<1x32xf32> to vector<1x32xf32>
    %broadcast_in_dim3A_46 = vector.broadcast %broadcast_in_dim3A_45 : vector<1x32xf32> to vector<10000x32xf32>
    %broadcast_in_dim3A_47 = vector.broadcast %jit3A_44 : f32 to vector<10000x32xf32>
    %select_n3A_48 = arith.select %eq3A_30, %broadcast_in_dim3A_46, %broadcast_in_dim3A_47 : vector<10000x32xi1>, vector<10000x32xf32>
    %reduce_sum3A = arith.constant dense<0.000000e+00> : vector<10000xf32>
    %reduce_sum3A_49 = vector.multi_reduction <add>, %select_n3A_48, %reduce_sum3A [1] : vector<10000x32xf32> to vector<10000xf32>
    %broadcast_in_dim3A_50 = vector.shape_cast %reduce_sum3A_49 : vector<10000xf32> to vector<10000x1xf32>
    %gt3A_51 = arith.constant 0.000000e+00 : f32
    %gt3A_52 = vector.broadcast %gt3A_51 : f32 to vector<10000x1xf32>
    %gt3A_53 = arith.cmpf ogt, %get3A_26, %gt3A_52 : vector<10000x1xf32>
    %sub3A = arith.subf %select_n3A, %broadcast_in_dim3A_50 : vector<10000x1xf32>
    %exp3A = math.exp %sub3A : vector<10000x1xf32>
    %jit3A_54 = arith.constant 0.000000e+00 : f32
    %broadcast_in_dim3A_55 = vector.broadcast %jit3A_54 : f32 to vector<10000x1xf32>
    %select_n3A_56 = arith.select %gt3A_53, %exp3A, %broadcast_in_dim3A_55 : vector<10000x1xi1>, vector<10000x1xf32>
    %jit3A_57 = arith.constant 0.000000e+00 : f32
    %broadcast_in_dim3A_58 = vector.shape_cast %select_n3A_56 : vector<10000x1xf32> to vector<10000x1xf32>
    %broadcast_in_dim3A_59 = vector.broadcast %broadcast_in_dim3A_58 : vector<10000x1xf32> to vector<10000x32xf32>
    %broadcast_in_dim3A_60 = vector.broadcast %jit3A_57 : f32 to vector<10000x32xf32>
    %select_n3A_61 = arith.select %eq3A_30, %broadcast_in_dim3A_59, %broadcast_in_dim3A_60 : vector<10000x32xi1>, vector<10000x32xf32>
    %reduce_sum3A_62 = arith.constant dense<0.000000e+00> : vector<32xf32>
    %reduce_sum3A_63 = vector.multi_reduction <add>, %select_n3A_61, %reduce_sum3A_62 [0] : vector<10000x32xf32> to vector<32xf32>
    %broadcast_in_dim3A_64 = vector.shape_cast %reduce_sum3A_63 : vector<32xf32> to vector<1x32xf32>
    %jit3A_65 = arith.constant 0.000000e+00 : f32
    %broadcast_in_dim3A_66 = vector.shape_cast %broadcast_in_dim3A_64 : vector<1x32xf32> to vector<1x32xf32>
    %broadcast_in_dim3A_67 = vector.broadcast %broadcast_in_dim3A_66 : vector<1x32xf32> to vector<10000x32xf32>
    %broadcast_in_dim3A_68 = vector.broadcast %jit3A_65 : f32 to vector<10000x32xf32>
    %select_n3A_69 = arith.select %eq3A_30, %broadcast_in_dim3A_67, %broadcast_in_dim3A_68 : vector<10000x32xi1>, vector<10000x32xf32>
    %reduce_sum3A_70 = arith.constant dense<0.000000e+00> : vector<10000xf32>
    %reduce_sum3A_71 = vector.multi_reduction <add>, %select_n3A_69, %reduce_sum3A_70 [1] : vector<10000x32xf32> to vector<10000xf32>
    %broadcast_in_dim3A_72 = vector.shape_cast %reduce_sum3A_71 : vector<10000xf32> to vector<10000x1xf32>
    %div3A = arith.divf %select_n3A_56, %broadcast_in_dim3A_72 : vector<10000x1xf32>
    %swap3A = arith.constant 0 : index
    %swap3A_73 = arith.constant 0 : index
    %swap3A_74 = vector.load %arg7[%swap3A, %swap3A_73] : memref<10000x1xf32, #tpu.memory_space<vmem>>, vector<10000x1xf32>
    tpu.vector_store %arg7[%swap3A, %swap3A_73], %div3A {strides = array<i32>} : memref<10000x1xf32, #tpu.memory_space<vmem>>, vector<10000x1xf32>,
    return
  }
}

</mosaic_0001>

<sc_bundles>
// kernel: kernel.11.cloned.1.call-start
scs
__scs_entry_jumppad:
0x0: {  	(pc) =	sbr.rel $0x88, $3  }
0x1: {  	(tag) =	ssettag $0x0;
	lr =	simm.s32 $0x1  }
0x2: {  	[smem:$0x3F95] =	sst lr;
	_ =	strace $0xD0000000  }
0x3: {  	_ = 	snop  }
0x4: {  	_ = 	snop  }
0x5: {  	_ = 	snop  }
0x6: {  	_ = 	snop  }
0x7: {  	_ = 	snop  }
__scs_overlays_trampoline_lowered:
0x8: {  	[smem:$0x3FA4] =	sst s0  }
0x9: {  	[smem:$0x3FA5] =	sst s1  }
0xa: {  	[smem:$0x3FA6] =	sst s2  }
0xb: {  	[smem:$0x3FA7] =	sst s3  }
0xc: {  	[smem:$0x3FA8] =	sst s4  }
0xd: {  	[smem:$0x3FA9] =	sst s5  }
0xe: {  	[smem:$0x3FAA] =	sst s6  }
0xf: {  	[smem:$0x3FAB] =	sst s7  }
0x10: {  	[smem:$0x3FAC] =	sst s8  }
0x11: {  	[smem:$0x3FAD] =	sst s9;
	s0 =	simm.s32 @!p0 $0x0  }
0x12: {  	s1 =	sld [smem:$0x3F93];
	s0 =	simm.s32 @p0 $0x1  }
0x13: {  	[smem:$0x3FAE] =	sst s0;
	s0 =	simm.s32 @!p1 $0x0  }
0x14: {  	s2 =	sld [smem:$0x3F92];
	s0 =	simm.s32 @p1 $0x1  }
0x15: {  	[smem:$0x3FAF] =	sst s0;
	s0 =	simm.s32 @!p2 $0x0  }
0x16: {  	s3 =	sld [smem:$0x3FDB];
	s0 =	simm.s32 @p2 $0x1  }
0x17: {  	s4 =	simm.s32 $0x1BF5;
	[smem:$0x3FB1] =	sst s0  }
0x18: {  	s0 =	sld [smem:$0x3F94];
	_ =	swait.ge [sflag:s4], $0x0  }
0x19: {  	s7 =	sld [smem:$0x3F95]  }
0x1a: {  	s8 =	sadd.s32 $0xFFFFE003, lr  }
0x1b: {  	s9 =	sadd.s32 $0xFFFFFEF7, lr;
	s5 =	simm.s32 $0xFFFFFFFF;
	p2 =	slt.u32 s8, $0xFFFFF086  }
0x1c: {  	p1 =	slt.u32 s9, $0xF7A;
	s5 =	simm.s32 @!p2 $0x0  }
0x1d: {  	s5 =	simm.s32 @p1 $0x1;
	p0 =	seq.s32 s7, s2  }
0x1e: {  	s7 =	smul.u32 @!p0 $0xF7A, s2;
	p2 =	seq.s32 @!p0 s5, $0x0  }
0x1f: {  	s9 =	smul.u32 $0xF7A, s1;
	s8 =	simm.s32 @!p0 $0x1BF5;
	p2 =	por !p2, p0  }
0x20: {  	[sflag:s8] =	ssyncset.s32 @!p0 $0xFFFFF086;
	s6 =	sadd.s32 @!p0 s3, s7;
	s7 =	simm.s32 @!p0 $0x108  }
0x21: {  	s3 =	sadd.s32 s3, s9;
	s6 =	sadd.s32 @!p0 $0x88, s6;
	s7 =	simm.s32 @p2 $0x1082  }
0x22: {  	[simem:s7], [sflag:s8] =	dma.local @!p0 [hbm:s6], $0xF7A  }
0x23: {  	s9 =	sor.u32 $0xD0000000, s2;
	s6 =	simm.s32 $0x108;
	_ =	swait.ge @!p0 [sflag:s8], $0x0  }
0x24: {  	s3 =	sadd.s32 $0x88, s3;
	s6 =	simm.s32 @!p1 $0x1082;
	[sflag:s4] =	ssyncset.s32 $0xFFFFF086  }
0x25: {  	[simem:s6], [sflag:s4] =	dma.local [hbm:s3], $0xF7A  }
0x26: {  	[smem:$0x3F95] =	sst s1;
	(tag) =	ssettag s2;
	_ =	strace s9  }
0x27: {  	s1 =	sld [smem:$0x3FA5]  }
0x28: {  	s2 =	sld [smem:$0x3FA6]  }
0x29: {  	s4 =	sld [smem:$0x3FA8]  }
0x2a: {  	p0 =	seq.s32 s5, $0x0;
	s5 =	sld [smem:$0x3FA9]  }
0x2b: {  	s6 =	sld [smem:$0x3FAA]  }
0x2c: {  	s7 =	sld [smem:$0x3FAB]  }
0x2d: {  	s3 =	simm.s32 $0x108;
	s8 =	sld [smem:$0x3FAC]  }
0x2e: {  	s3 =	simm.s32 @!p0 $0x1082;
	s9 =	sld [smem:$0x3FAD]  }
0x2f: {  	lr =	sadd.s32 s0, s3;
	s0 =	sld [smem:$0x3FA4]  }
0x30: {  	s3 =	sld [smem:$0x3FA7]  }
0x31: {  	[smem:$0x3FB0] =	sst s10  }
0x32: {  	s10 =	sld [smem:$0x3FAE];
	_ =	sdelay $0x3  }
0x33: {  	p0 =	seq.s32 s10, $0x1;
	s10 =	sld [smem:$0x3FB0];
	_ =	sdelay $0x3  }
0x34: {  	[smem:$0x3FB0] =	sst s10  }
0x35: {  	s10 =	sld [smem:$0x3FAF];
	_ =	sdelay $0x3  }
0x36: {  	p1 =	seq.s32 s10, $0x1;
	s10 =	sld [smem:$0x3FB0];
	_ =	sdelay $0x3  }
0x37: {  	[smem:$0x3FB0] =	sst s10  }
0x38: {  	s10 =	sld [smem:$0x3FB1]  }
0x39: {  	_ = 	snop;
	(pc) =	sbr.ind lr, $3  }
0x3a: {  	_ = 	snop  }
0x3b: {  	_ = 	snop  }
0x3c: {  	p2 =	seq.s32 s10, $0x1;
	s10 =	sld [smem:$0x3FB0]  }
0x3d: {  	_ =	shalt  }
0x3e: {  	_ =	shalt  }
0x3f: {  	_ =	shalt  }
0x40: {  	_ =	shalt  }
0x41: {  	_ =	shalt  }
0x42: {  	_ =	shalt  }
0x43: {  	_ =	shalt  }
0x44: {  	_ =	shalt  }
0x45: {  	_ =	shalt  }
0x46: {  	_ =	shalt  }
0x47: {  	_ =	shalt  }
0x48: {  	_ =	shalt  }
0x49: {  	_ =	shalt  }
0x4a: {  	_ =	shalt  }
0x4b: {  	_ =	shalt  }
0x4c: {  	_ =	shalt  }
0x4d: {  	_ =	shalt  }
0x4e: {  	_ =	shalt  }
0x4f: {  	_ =	shalt  }
0x50: {  	_ =	shalt  }
0x51: {  	_ =	shalt  }
0x52: {  	_ =	shalt  }
0x53: {  	_ =	shalt  }
0x54: {  	_ =	shalt  }
0x55: {  	_ =	shalt  }
0x56: {  	_ =	shalt  }
0x57: {  	_ =	shalt  }
0x58: {  	_ =	shalt  }
0x59: {  	_ =	shalt  }
0x5a: {  	_ =	shalt  }
0x5b: {  	_ =	shalt  }
0x5c: {  	_ =	shalt  }
0x5d: {  	_ =	shalt  }
0x5e: {  	_ =	shalt  }
0x5f: {  	_ =	shalt  }
0x60: {  	_ =	shalt  }
0x61: {  	_ =	shalt  }
0x62: {  	_ =	shalt  }
0x63: {  	_ =	shalt  }
0x64: {  	_ =	shalt  }
0x65: {  	_ =	shalt  }
0x66: {  	_ =	shalt  }
0x67: {  	_ =	shalt  }
0x68: {  	_ =	shalt  }
0x69: {  	_ =	shalt  }
0x6a: {  	_ =	shalt  }
0x6b: {  	_ =	shalt  }
0x6c: {  	_ =	shalt  }
0x6d: {  	_ =	shalt  }
0x6e: {  	_ =	shalt  }
0x6f: {  	_ =	shalt  }
0x70: {  	_ =	shalt  }
0x71: {  	_ =	shalt  }
0x72: {  	_ =	shalt  }
0x73: {  	_ =	shalt  }
0x74: {  	_ =	shalt  }
0x75: {  	_ =	shalt  }
0x76: {  	_ =	shalt  }
0x77: {  	_ =	shalt  }
0x78: {  	_ =	shalt  }
0x79: {  	_ =	shalt  }
0x7a: {  	_ =	shalt  }
0x7b: {  	_ =	shalt  }
0x7c: {  	_ =	shalt  }
0x7d: {  	_ =	shalt  }
0x7e: {  	_ =	shalt  }
0x7f: {  	_ =	shalt  }
0x80: {  	_ =	shalt  }
0x81: {  	_ =	shalt  }
0x82: {  	_ =	shalt  }
0x83: {  	_ =	shalt  }
0x84: {  	_ =	shalt  }
0x85: {  	_ =	shalt  }
0x86: {  	_ =	shalt  }
0x87: {  	_ =	shalt  }
.Lfunc_end0:
.L_simem_size_0:
called_computation_lowered:
.L_overlay_start_0:
0x88: {  	s2 =	sld [smem:$0x3FD9]  }
0x89: {  	s3 =	sld [smem:$0x3FFE];
	_ =	sdelay $0x1  }
0x8a: {  	s1 =	srdreg.scid  }
0x8b: {  	s0 =	sand.u32 $0x1, s1  }
0x8c: {  	s16 =	sshll.u32 s0, $0xA;
	s2 =	sadd.s32 s3, s2  }
0x8d: {  	s2 =	sadd.s32 s2, s16  }
0x8e: {  	[smem:$0x3FBC] =	sst s2  }
0x8f: {  	_ = 	snop  }
0x90: {  	(tm) =	ssettm $0x1  }
0x91: {  	s17 =	sld [smem:$0x3FFB];
	_ =	sdelay $0x3  }
0x92: {  	_ =	strace s17  }
0x93: {  	s2 =	sld [smem:$0x3FFC];
	_ =	sdelay $0x3  }
0x94: {  	_ =	strace s2  }
0x95: {  	s2 =	sld [smem:$0x3FFD];
	_ =	sdelay $0x3  }
0x96: {  	_ =	strace s2  }
0x97: {  	_ =	strace $0x8FFFFFFF  }
0x98: {  	s18 =	sld [smem:$0x3FDB];
	_ =	sdelay $0x1  }
0x99: {  	s19 =	simm.s32 $_scs_section_size  }
0x9a: {  	s4 =	simm.s32 $_size__tile_overlayer_lowered;
	s5 =	simm.s32 $_tile_overlayer_lowered  }
0x9b: {  	s22 =	simm.s32 $0x1BFF;
	s21 =	sshll.u32 s5, $0x1;
	s2 =	sadd.s32 s19, s18  }
0x9c: {  	s6 =	simm.s32 $0x0;
	s20 =	sshll.u32 s4, $0x1;
	s4 =	sadd.s32 s21, s2  }
0x9d: {  	[timem:s6], [sflag:s22] =	dma.local [hbm:s4], s20  }
0x9e: {  	_ =	swait.ge [sflag:s22], s20  }
0x9f: {  	s3 =	ssub.s32 $0x0, s20;
	[sflag:s22] =	ssyncset.done $0x0  }
0xa0: {  	[sflag:s22] =	ssyncadd.s32 s3;
	_ =	sdelay $0x1  }
0xa1: {  	s23 =	simm.s32 $0x1B8B  }
0xa2: {  	_ =	swait.ge [sflag:s23], $0x1  }
0xa3: {  	[sflag:s23] =	ssyncset.done $0x0  }
0xa4: {  	s25 =	simm.s32 $0x1B8E;
	s24 =	sld [smem:$0x3FFE];
	[sflag:s23] =	ssyncadd.s32 $0xFFFFFFFF  }
0xa5: {  	s26 =	simm.s32 $execute0_lowered;
	[smem:$0x3FD2] =	sst s25  }
0xa6: {  	s4 =	sshll.u32 s26, $0x1;
	_ =	strace $0x80000046;
	[dreg:$0x1] =	wrdreg $0xFFFFFFFF  }
0xa7: {  	s28 =	simm.s32 $_size_execute0_lowered;
	s2 =	sadd.s32 s2, s4;
	[dreg:$0x0] =	wrdreg $0x0  }
0xa8: {  	s4 =	sshll.u32 s28, $0x1;
	[dreg:$0x2] =	wrdreg s2  }
0xa9: {  	[dreg:$0x3] =	wrdreg s4  }
0xaa: {  	[dreg:$0x4] =	wrdreg $0xC0  }
0xab: {  	_ =	task [dreg:s6], $0x5FFFF  }
0xac: {  	[dreg:$0x1] =	wrdreg $0xFFFFFFFF  }
0xad: {  	[dreg:$0x0] =	wrdreg $0x60  }
0xae: {  	[dreg:$0x2] =	wrdreg s24  }
0xaf: {  	[dreg:$0x3] =	wrdreg $0x9  }
0xb0: {  	_ =	task.clear_ibuf [dreg:s6], $0x4FFFF;
	_ =	strace $0x90000046  }
0xb1: {  	s29 =	simm.s32 $0x9;
	_ =	strace $0x80000048  }
0xb2: {  	_ =	swait.ge [sflag:s29], $0x1  }
0xb3: {  	[sflag:s29] =	ssyncadd.s32 $0xFFFFFFFF  }
0xb4: {  	_ =	strace $0x90000048  }
0xb5: {  	_ =	sfence  }
0xb6: {  	s30 =	sld [smem:$0x0];
	_ =	sdelay $0x2  }
0xb7: {  	s31 =	sshll.u32 s1, $0xD;
	s1 =	sshrl.u32 s1, $0x2  }
0xb8: {  	s3 =	sand.u32 $0x4000, s31;
	s1 =	sadd.s32 s1, s30  }
0xb9: {  	s0 =	sor.u32 s3, s0;
	s1 =	sshll.u32 s1, $0x11  }
0xba: {  	s0 =	sor.u32 s1, s0  }
0xbb: {  	s0 =	sadd.s32 $0x8F2B, s0  }
0xbc: {  	[sflag:s0] =	ssyncadd.remote.s32 $0x1  }
0xbd: {  	_ =	sfence.sel $0xFFFF  }
0xbe: {  	[dreg:$0x0] =	wrdreg $0xFFFFFFFF;
	(pc) =	sbr.abs _section_cstart, $3  }
0xbf: {  	[dreg:$0x1] =	wrdreg $0xFFFFFFFF  }
0xc0: {  	_ =	task.clear_ibuf [dreg:s6], $0x2FFFF;
	_ =	strace $0x9FFFFFFF  }
0xc1: {  	(tm) =	ssettm $0x7FFFFFFF  }
tec
execute0_lowered:
.L_overlay_start_1:
0x0: {  	(tag) =	ssettag $0x1  }
0x1: {  	s0 =	srdreg.scid;
	s4 =	rddreg [dreg:$0x0]  }
0x2: {  	s2 =	simm.s32 $0x0;
	s3 =	sand.u32 $0x1, s0;
	s0 =	stileid.u32  }
0x3: {  	[smem:$0x7FF] =	sst s2;
	s5 =	smul.u32 $0x4F00, s3  }
0x4: {  	s1 =	sshll.u32 s3, $0x4;
	s3 =	ssub.s32 $0x2, s3;
	s7 =	smul.u32 $0x4F0, s0  }
0x5: {  	s6 =	sor.u32 s0, s1;
	s1 =	rddreg [dreg:$0x1];
	_ =	strace $0x80000047  }
0x6: {  	s8 =	sshrl.u32 s3, $0x1;
	s6 =	smul.u32 $0x4E4, s6;
	s5 =	sadd.s32 s5, s4  }
0x7: {  	s31 =	ssub.s32 s3, s8;
	s8 =	simm.s32 $0x0;
	s5 =	sadd.s32 s7, s5  }
0x8: {  	s7 =	simm.s32 $0x80;
	s4 =	sadd.s32 s6, s4;
	s5 =	sadd.s32 $0x2200, s5  }
0x9: {  	v0 =	vimm.f32 $0.0e+00;
	v1 =	vimm.f32 $1.000000000e+00;
	s6 =	simm.s32 $0x1;
	s3 =	sadd.s32 $0xC000, s4;
	s4 =	smax.u32 s31, $0x1  }
.LBB2_1:
0xa: {  	s9 =	simm.s32 $0x0  }
.LBB2_2:
0xb: {  	p0 =	sne.s32 s9, $0x9C40  }
.Ltmp0:
0xc: {  	_ = 	snop;
	(pc) =	sbr.rel @p0 .LBB2_2-.Ltmp0, $3  }
0xd: {  	_ =	sdelay $0x1  }
0xe: {  	s10 =	sshra.s32 s9, $0x2  }
0xf: {  	s9 =	sadd.s32 $0x40, s9;
	[tilespmem:s10+$0x80] =	vst v0  }
0x10: {  	s9 =	simm.s32 $0x0  }
.LBB2_4:
0x11: {  	s10 =	sadd.s32 s9, s5  }
0x12: {  	[tilespmem:s2], [sflag:$0x1] =	stream.linear.gather [hbm4b:s10+s2], $0x80, $0x38;
	[tilespmem:$0x2800] =	vst v63  }
0x13: {  	_ =	swait.ge [sflag:s6], $0x80  }
0x14: {  	[sflag:s6] =	ssyncset.done $0x0  }
0x15: {  	[sflag:s6] =	ssyncadd.s32 $0xFFFFFF80  }
0x16: {  	v2 =	vld [tilespmem:$0x0];
	_ =	sdelay $0x7  }
0x17: {  	[tilespmem:v2+s7+$0x0] =	vst.idx.add.f32.msk $0xffff, v1  }
0x18: {  	v2 =	vld [tilespmem:$0x10];
	_ =	sdelay $0x7  }
0x19: {  	[tilespmem:v2+s7+$0x0] =	vst.idx.add.f32.msk $0xffff, v1  }
0x1a: {  	v2 =	vld [tilespmem:$0x20];
	_ =	sdelay $0x7  }
0x1b: {  	[tilespmem:v2+s7+$0x0] =	vst.idx.add.f32.msk $0xffff, v1  }
0x1c: {  	v2 =	vld [tilespmem:$0x30];
	_ =	sdelay $0x7  }
0x1d: {  	[tilespmem:v2+s7+$0x0] =	vst.idx.add.f32.msk $0xffff, v1  }
0x1e: {  	v2 =	vld [tilespmem:$0x40];
	_ =	sdelay $0x7  }
0x1f: {  	[tilespmem:v2+s7+$0x0] =	vst.idx.add.f32.msk $0xffff, v1  }
0x20: {  	v2 =	vld [tilespmem:$0x50];
	_ =	sdelay $0x7  }
0x21: {  	[tilespmem:v2+s7+$0x0] =	vst.idx.add.f32.msk $0xffff, v1  }
0x22: {  	v2 =	vld [tilespmem:$0x60];
	_ =	sdelay $0x7  }
0x23: {  	[tilespmem:v2+s7+$0x0] =	vst.idx.add.f32.msk $0xffff, v1  }
0x24: {  	v2 =	vld [tilespmem:$0x70];
	_ =	sdelay $0x2  }
0x25: {  	p0 =	sne.s32 s9, $0x4E0  }
.Ltmp1:
0x26: {  	_ = 	snop;
	(pc) =	sbr.rel @p0 .LBB2_4-.Ltmp1, $2  }
0x27: {  	_ =	sdelay $0x2  }
0x28: {  	s9 =	sadd.s32 $0x10, s9;
	[tilespmem:v2+s7+$0x0] =	vst.idx.add.f32.msk $0xffff, v1  }
0x29: {  	s8 =	sadd.s32 $0x1, s8  }
0x2a: {  	p0 =	sne.s32 s8, s4  }
.Ltmp2:
0x2b: {  	_ = 	snop;
	(pc) =	sbr.rel @p0 .LBB2_1-.Ltmp2, $4  }
0x2c: {  	[hbm4b:s3+s2] =	stream.linear.scatter [tilespmem:s7], [sflag:$0x1], $0x2720, $0x38;
	[tilespmem:$0x2800] =	vst v63  }
0x2d: {  	_ =	swait.ge [sflag:s6], $0x2720  }
0x2e: {  	[sflag:s6] =	ssyncset.done $0x0  }
0x2f: {  	[sflag:s6] =	ssyncadd.s32 $0xFFFFD8E0  }
0x30: {  	_ =	sfence.sel $0x180000  }
0x31: {  	[bflag:$0x0] =	sbarrier.arrive $0xFFFF  }
0x32: {  	p0 =	sne.s32 s0, $0x0;
	_ =	strace $0x90000047  }
0x33: {  	s0 =	sadd.s32 @!p0 $0x100000, s1;
	[bflag:$0x2] =	sbarrier.arrive $0xFFFF  }
0x34: {  	[sflag:s0] =	ssyncadd.tile.s32 @!p0 $0x1;
	_ =	shalt  }
.Lfunc_end2:
_tile_overlayer_lowered:
.L_overlay_start_2:
0x35: {  	(tag) =	ssettag $0x2  }
0x36: {  	s0 =	rddreg [dreg:$0x0];
	s2 =	stileid.u32  }
0x37: {  	s1 =	rddreg [dreg:$0x1];
	p0 =	sne.s32 s2, $0x0  }
0x38: {  	s3 =	rddreg [dreg:$0x2];
	[bflag:$0x3] =	sbarrier.arrive $0xFFFF;
	s2 =	simm.s32 @!p0 $0x1C01  }
0x39: {  	[timem:s3], [sflag:s2] =	dma.local @!p0 [hbm:s0], s1  }
0x3a: {  	s0 =	simm.s32 @!p0 $0x1  }
0x3b: {  	_ =	swait.ge @!p0 [sflag:s0], s1  }
0x3c: {  	s1 =	ssub.s32 @!p0 $0x0, s1;
	[sflag:s0] =	ssyncset.done @!p0 $0x0  }
0x3d: {  	[sflag:s0] =	ssyncadd.s32 @!p0 s1  }
0x3e: {  	[bflag:$0x3] =	sbarrier.arrive $0xFFFF  }
0x3f: {  	_ =	shalt  }

// kernel: kernel.14.cloned.1.call-start
scs
__scs_entry_jumppad:
0x0: {  	(pc) =	sbr.rel $0x88, $3  }
0x1: {  	(tag) =	ssettag $0x0;
	lr =	simm.s32 $0x1  }
0x2: {  	[smem:$0x3F95] =	sst lr;
	_ =	strace $0xD0000000  }
0x3: {  	_ = 	snop  }
0x4: {  	_ = 	snop  }
0x5: {  	_ = 	snop  }
0x6: {  	_ = 	snop  }
0x7: {  	_ = 	snop  }
__scs_overlays_trampoline_lowered:
0x8: {  	[smem:$0x3FA4] =	sst s0  }
0x9: {  	[smem:$0x3FA5] =	sst s1  }
0xa: {  	[smem:$0x3FA6] =	sst s2  }
0xb: {  	[smem:$0x3FA7] =	sst s3  }
0xc: {  	[smem:$0x3FA8] =	sst s4  }
0xd: {  	[smem:$0x3FA9] =	sst s5  }
0xe: {  	[smem:$0x3FAA] =	sst s6  }
0xf: {  	[smem:$0x3FAB] =	sst s7  }
0x10: {  	[smem:$0x3FAC] =	sst s8  }
0x11: {  	[smem:$0x3FAD] =	sst s9;
	s0 =	simm.s32 @!p0 $0x0  }
0x12: {  	s1 =	sld [smem:$0x3F93];
	s0 =	simm.s32 @p0 $0x1  }
0x13: {  	[smem:$0x3FAE] =	sst s0;
	s0 =	simm.s32 @!p1 $0x0  }
0x14: {  	s2 =	sld [smem:$0x3F92];
	s0 =	simm.s32 @p1 $0x1  }
0x15: {  	[smem:$0x3FAF] =	sst s0;
	s0 =	simm.s32 @!p2 $0x0  }
0x16: {  	s3 =	sld [smem:$0x3FDB];
	s0 =	simm.s32 @p2 $0x1  }
0x17: {  	s4 =	simm.s32 $0x1BF5;
	[smem:$0x3FB1] =	sst s0  }
0x18: {  	s0 =	sld [smem:$0x3F94];
	_ =	swait.ge [sflag:s4], $0x0  }
0x19: {  	s7 =	sld [smem:$0x3F95]  }
0x1a: {  	s8 =	sadd.s32 $0xFFFFE003, lr  }
0x1b: {  	s9 =	sadd.s32 $0xFFFFFEF7, lr;
	s5 =	simm.s32 $0xFFFFFFFF;
	p2 =	slt.u32 s8, $0xFFFFF086  }
0x1c: {  	p1 =	slt.u32 s9, $0xF7A;
	s5 =	simm.s32 @!p2 $0x0  }
0x1d: {  	s5 =	simm.s32 @p1 $0x1;
	p0 =	seq.s32 s7, s2  }
0x1e: {  	s7 =	smul.u32 @!p0 $0xF7A, s2;
	p2 =	seq.s32 @!p0 s5, $0x0  }
0x1f: {  	s9 =	smul.u32 $0xF7A, s1;
	s8 =	simm.s32 @!p0 $0x1BF5;
	p2 =	por !p2, p0  }
0x20: {  	[sflag:s8] =	ssyncset.s32 @!p0 $0xFFFFF086;
	s6 =	sadd.s32 @!p0 s3, s7;
	s7 =	simm.s32 @!p0 $0x108  }
0x21: {  	s3 =	sadd.s32 s3, s9;
	s6 =	sadd.s32 @!p0 $0x88, s6;
	s7 =	simm.s32 @p2 $0x1082  }
0x22: {  	[simem:s7], [sflag:s8] =	dma.local @!p0 [hbm:s6], $0xF7A  }
0x23: {  	s9 =	sor.u32 $0xD0000000, s2;
	s6 =	simm.s32 $0x108;
	_ =	swait.ge @!p0 [sflag:s8], $0x0  }
0x24: {  	s3 =	sadd.s32 $0x88, s3;
	s6 =	simm.s32 @!p1 $0x1082;
	[sflag:s4] =	ssyncset.s32 $0xFFFFF086  }
0x25: {  	[simem:s6], [sflag:s4] =	dma.local [hbm:s3], $0xF7A  }
0x26: {  	[smem:$0x3F95] =	sst s1;
	(tag) =	ssettag s2;
	_ =	strace s9  }
0x27: {  	s1 =	sld [smem:$0x3FA5]  }
0x28: {  	s2 =	sld [smem:$0x3FA6]  }
0x29: {  	s4 =	sld [smem:$0x3FA8]  }
0x2a: {  	p0 =	seq.s32 s5, $0x0;
	s5 =	sld [smem:$0x3FA9]  }
0x2b: {  	s6 =	sld [smem:$0x3FAA]  }
0x2c: {  	s7 =	sld [smem:$0x3FAB]  }
0x2d: {  	s3 =	simm.s32 $0x108;
	s8 =	sld [smem:$0x3FAC]  }
0x2e: {  	s3 =	simm.s32 @!p0 $0x1082;
	s9 =	sld [smem:$0x3FAD]  }
0x2f: {  	lr =	sadd.s32 s0, s3;
	s0 =	sld [smem:$0x3FA4]  }
0x30: {  	s3 =	sld [smem:$0x3FA7]  }
0x31: {  	[smem:$0x3FB0] =	sst s10  }
0x32: {  	s10 =	sld [smem:$0x3FAE];
	_ =	sdelay $0x3  }
0x33: {  	p0 =	seq.s32 s10, $0x1;
	s10 =	sld [smem:$0x3FB0];
	_ =	sdelay $0x3  }
0x34: {  	[smem:$0x3FB0] =	sst s10  }
0x35: {  	s10 =	sld [smem:$0x3FAF];
	_ =	sdelay $0x3  }
0x36: {  	p1 =	seq.s32 s10, $0x1;
	s10 =	sld [smem:$0x3FB0];
	_ =	sdelay $0x3  }
0x37: {  	[smem:$0x3FB0] =	sst s10  }
0x38: {  	s10 =	sld [smem:$0x3FB1]  }
0x39: {  	_ = 	snop;
	(pc) =	sbr.ind lr, $3  }
0x3a: {  	_ = 	snop  }
0x3b: {  	_ = 	snop  }
0x3c: {  	p2 =	seq.s32 s10, $0x1;
	s10 =	sld [smem:$0x3FB0]  }
0x3d: {  	_ =	shalt  }
0x3e: {  	_ =	shalt  }
0x3f: {  	_ =	shalt  }
0x40: {  	_ =	shalt  }
0x41: {  	_ =	shalt  }
0x42: {  	_ =	shalt  }
0x43: {  	_ =	shalt  }
0x44: {  	_ =	shalt  }
0x45: {  	_ =	shalt  }
0x46: {  	_ =	shalt  }
0x47: {  	_ =	shalt  }
0x48: {  	_ =	shalt  }
0x49: {  	_ =	shalt  }
0x4a: {  	_ =	shalt  }
0x4b: {  	_ =	shalt  }
0x4c: {  	_ =	shalt  }
0x4d: {  	_ =	shalt  }
0x4e: {  	_ =	shalt  }
0x4f: {  	_ =	shalt  }
0x50: {  	_ =	shalt  }
0x51: {  	_ =	shalt  }
0x52: {  	_ =	shalt  }
0x53: {  	_ =	shalt  }
0x54: {  	_ =	shalt  }
0x55: {  	_ =	shalt  }
0x56: {  	_ =	shalt  }
0x57: {  	_ =	shalt  }
0x58: {  	_ =	shalt  }
0x59: {  	_ =	shalt  }
0x5a: {  	_ =	shalt  }
0x5b: {  	_ =	shalt  }
0x5c: {  	_ =	shalt  }
0x5d: {  	_ =	shalt  }
0x5e: {  	_ =	shalt  }
0x5f: {  	_ =	shalt  }
0x60: {  	_ =	shalt  }
0x61: {  	_ =	shalt  }
0x62: {  	_ =	shalt  }
0x63: {  	_ =	shalt  }
0x64: {  	_ =	shalt  }
0x65: {  	_ =	shalt  }
0x66: {  	_ =	shalt  }
0x67: {  	_ =	shalt  }
0x68: {  	_ =	shalt  }
0x69: {  	_ =	shalt  }
0x6a: {  	_ =	shalt  }
0x6b: {  	_ =	shalt  }
0x6c: {  	_ =	shalt  }
0x6d: {  	_ =	shalt  }
0x6e: {  	_ =	shalt  }
0x6f: {  	_ =	shalt  }
0x70: {  	_ =	shalt  }
0x71: {  	_ =	shalt  }
0x72: {  	_ =	shalt  }
0x73: {  	_ =	shalt  }
0x74: {  	_ =	shalt  }
0x75: {  	_ =	shalt  }
0x76: {  	_ =	shalt  }
0x77: {  	_ =	shalt  }
0x78: {  	_ =	shalt  }
0x79: {  	_ =	shalt  }
0x7a: {  	_ =	shalt  }
0x7b: {  	_ =	shalt  }
0x7c: {  	_ =	shalt  }
0x7d: {  	_ =	shalt  }
0x7e: {  	_ =	shalt  }
0x7f: {  	_ =	shalt  }
0x80: {  	_ =	shalt  }
0x81: {  	_ =	shalt  }
0x82: {  	_ =	shalt  }
0x83: {  	_ =	shalt  }
0x84: {  	_ =	shalt  }
0x85: {  	_ =	shalt  }
0x86: {  	_ =	shalt  }
0x87: {  	_ =	shalt  }
.Lfunc_end0:
.L_simem_size_0:
called_computation.1_lowered:
.L_overlay_start_0:
0x88: {  	s2 =	sld [smem:$0x3FD9]  }
0x89: {  	s3 =	sld [smem:$0x3FFE];
	_ =	sdelay $0x1  }
0x8a: {  	s1 =	srdreg.scid  }
0x8b: {  	s0 =	sand.u32 $0x1, s1  }
0x8c: {  	s16 =	sshll.u32 s0, $0xA;
	s2 =	sadd.s32 s3, s2  }
0x8d: {  	s2 =	sadd.s32 s2, s16  }
0x8e: {  	[smem:$0x3FBC] =	sst s2  }
0x8f: {  	_ = 	snop  }
0x90: {  	(tm) =	ssettm $0x1  }
0x91: {  	s17 =	sld [smem:$0x3FFB];
	_ =	sdelay $0x3  }
0x92: {  	_ =	strace s17  }
0x93: {  	s2 =	sld [smem:$0x3FFC];
	_ =	sdelay $0x3  }
0x94: {  	_ =	strace s2  }
0x95: {  	s2 =	sld [smem:$0x3FFD];
	_ =	sdelay $0x3  }
0x96: {  	_ =	strace s2  }
0x97: {  	_ =	strace $0x8FFFFFFF  }
0x98: {  	s18 =	sld [smem:$0x3FDB];
	_ =	sdelay $0x1  }
0x99: {  	s19 =	simm.s32 $_scs_section_size  }
0x9a: {  	s4 =	simm.s32 $_size__tile_overlayer_lowered;
	s5 =	simm.s32 $_tile_overlayer_lowered  }
0x9b: {  	s22 =	simm.s32 $0x1BFF;
	s21 =	sshll.u32 s5, $0x1;
	s2 =	sadd.s32 s19, s18  }
0x9c: {  	s6 =	simm.s32 $0x0;
	s20 =	sshll.u32 s4, $0x1;
	s4 =	sadd.s32 s21, s2  }
0x9d: {  	[timem:s6], [sflag:s22] =	dma.local [hbm:s4], s20  }
0x9e: {  	_ =	swait.ge [sflag:s22], s20  }
0x9f: {  	s3 =	ssub.s32 $0x0, s20;
	[sflag:s22] =	ssyncset.done $0x0  }
0xa0: {  	[sflag:s22] =	ssyncadd.s32 s3;
	_ =	sdelay $0x1  }
0xa1: {  	s23 =	simm.s32 $0x1B8B  }
0xa2: {  	_ =	swait.ge [sflag:s23], $0x1  }
0xa3: {  	[sflag:s23] =	ssyncset.done $0x0  }
0xa4: {  	s25 =	simm.s32 $0x1B8E;
	s24 =	sld [smem:$0x3FFE];
	[sflag:s23] =	ssyncadd.s32 $0xFFFFFFFF  }
0xa5: {  	s26 =	simm.s32 $execute0_lowered;
	[smem:$0x3FD2] =	sst s25  }
0xa6: {  	s4 =	sshll.u32 s26, $0x1;
	_ =	strace $0x80000049;
	[dreg:$0x1] =	wrdreg $0xFFFFFFFF  }
0xa7: {  	s28 =	simm.s32 $_size_execute0_lowered;
	s2 =	sadd.s32 s2, s4;
	[dreg:$0x0] =	wrdreg $0x0  }
0xa8: {  	s4 =	sshll.u32 s28, $0x1;
	[dreg:$0x2] =	wrdreg s2  }
0xa9: {  	[dreg:$0x3] =	wrdreg s4  }
0xaa: {  	[dreg:$0x4] =	wrdreg $0xC0  }
0xab: {  	_ =	task [dreg:s6], $0x5FFFF  }
0xac: {  	[dreg:$0x1] =	wrdreg $0xFFFFFFFF  }
0xad: {  	[dreg:$0x0] =	wrdreg $0x60  }
0xae: {  	[dreg:$0x2] =	wrdreg s24  }
0xaf: {  	[dreg:$0x3] =	wrdreg $0x9  }
0xb0: {  	_ =	task.clear_ibuf [dreg:s6], $0x4FFFF;
	_ =	strace $0x90000049  }
0xb1: {  	s29 =	simm.s32 $0x9;
	_ =	strace $0x8000004B  }
0xb2: {  	_ =	swait.ge [sflag:s29], $0x1  }
0xb3: {  	[sflag:s29] =	ssyncadd.s32 $0xFFFFFFFF  }
0xb4: {  	_ =	strace $0x9000004B  }
0xb5: {  	_ =	sfence  }
0xb6: {  	s30 =	sld [smem:$0x0];
	_ =	sdelay $0x2  }
0xb7: {  	s31 =	sshll.u32 s1, $0xD;
	s1 =	sshrl.u32 s1, $0x2  }
0xb8: {  	s3 =	sand.u32 $0x4000, s31;
	s1 =	sadd.s32 s1, s30  }
0xb9: {  	s0 =	sor.u32 s3, s0;
	s1 =	sshll.u32 s1, $0x11  }
0xba: {  	s0 =	sor.u32 s1, s0  }
0xbb: {  	s0 =	sadd.s32 $0x8F2B, s0  }
0xbc: {  	[sflag:s0] =	ssyncadd.remote.s32 $0x1  }
0xbd: {  	_ =	sfence.sel $0xFFFF  }
0xbe: {  	[dreg:$0x0] =	wrdreg $0xFFFFFFFF;
	(pc) =	sbr.abs _section_cstart, $3  }
0xbf: {  	[dreg:$0x1] =	wrdreg $0xFFFFFFFF  }
0xc0: {  	_ =	task.clear_ibuf [dreg:s6], $0x2FFFF;
	_ =	strace $0x9FFFFFFF  }
0xc1: {  	(tm) =	ssettm $0x7FFFFFFF  }
tec
execute0_lowered:
.L_overlay_start_1:
0x0: {  	(tag) =	ssettag $0x1  }
0x1: {  	s0 =	rddreg [dreg:$0x0]  }
0x2: {  	s4 =	stileid.u32;
	s1 =	srdreg.scid  }
0x3: {  	s2 =	simm.s32 $0x0;
	s9 =	simm.s32 $0x3;
	s10 =	simm.s32 $0x80  }
0x4: {  	s11 =	simm.s32 $0x100;
	s12 =	simm.s32 $0x900;
	s13 =	simm.s32 $0x1100  }
0x5: {  	s14 =	simm.s32 $0x1900;
	s15 =	simm.s32 $0x2100;
	s16 =	simm.s32 $0x2900  }
0x6: {  	s17 =	simm.s32 $0x3100;
	s18 =	simm.s32 $0x3900;
	s19 =	simm.s32 $0x4100  }
0x7: {  	s20 =	simm.s32 $0x4900;
	s21 =	simm.s32 $0x5100;
	s22 =	simm.s32 $0x5900  }
0x8: {  	s23 =	simm.s32 $0x6100;
	s24 =	simm.s32 $0x6900;
	s25 =	simm.s32 $0x7100  }
0x9: {  	s26 =	simm.s32 $0x7900;
	s28 =	simm.s32 $0x1;
	s29 =	simm.s32 $0x2  }
0xa: {  	s30 =	simm.s32 $0x0;
	s3 =	smul.u32 $0x3B, s4;
	s1 =	sand.u32 $0x1, s1  }
0xb: {  	s4 =	smul.u32 $0x63, s4;
	[smem:$0x7FF] =	sst s2;
	p0 =	seq.s32 s1, $0x0  }
0xc: {  	_ =	strace $0x8000004A;
	s6 =	ssub.s32 $0x2, s1;
	s5 =	sadd.s32 $0x630, s3  }
0xd: {  	s1 =	simm.s32 $0x63;
	s3 =	sadd.s32 $0x1FC00, s0;
	s5 =	smov.u32 @p0 s4  }
0xe: {  	v2 =	vlaneseq.u32;
	s7 =	sshrl.u32 s6, $0x1;
	s1 =	simm.s32 @!p0 $0x3B;
	s4 =	sshll.u32 s5, $0x4  }
0xf: {  	vm0 =	vmmov $0xffff;
	v1 =	vshrl.u32 v2, $0x3;
	s31 =	ssub.s32 s6, s7;
	s5 =	sadd.s32 $0x6DE00, s0;
	s4 =	sadd.s32 s4, s0  }
0x10: {  	v0 =	vand.u32 $0x7, v2;
	v2 =	vor.u32 $0x8, v2;
	v1 =	vmul.u32 $0x8, v1;
	s6 =	smax.u32 s31, $0x1;
	s0 =	sadd.s32 $0x2200, s4;
	s8 =	sadd.s32 $0x15E00, s4  }
.LBB2_1:
0x11: {  	s31 =	smov.u32 s8;
	s7 =	smov.u32 s0;
	s4 =	smov.u32 s1  }
.LBB2_2:
0x12: {  	[tilespmem:s2], [sflag:$0x3] =	stream.linear.gather [hbm4b:s31+s2], $0x80, $0x38;
	[tilespmem:$0x8100] =	vst v63  }
0x13: {  	_ =	swait.ge [sflag:s9], $0x80  }
0x14: {  	[sflag:s9] =	ssyncset.done $0x0  }
0x15: {  	[sflag:s9] =	ssyncadd.s32 $0xFFFFFF80  }
0x16: {  	[tilespmem:s10], [sflag:$0x3] =	stream.linear.gather [hbm4b:s7+s2], $0x80, $0x38;
	[tilespmem:$0x8100] =	vst v63  }
0x17: {  	_ =	swait.ge [sflag:s9], $0x80  }
0x18: {  	[sflag:s9] =	ssyncset.done $0x0  }
0x19: {  	[sflag:s9] =	ssyncadd.s32 $0xFFFFFF80  }
0x1a: {  	v3 =	vld [tilespmem:$0x0];
	_ =	sdelay $0x4  }
0x1b: {  	v4 =	vshll.u32 v3, $0x1  }
0x1c: {  	v3 =	vand.u32 $0x7, v3;
	v4 =	vand.u32 $0xFFFFFFF0, v4  }
0x1d: {  	v3 =	vor.u32 v3, v4  }
0x1e: {  	v4 =	vperm.xlane v3, v0;
	_ =	sdelay $0x1  }
0x1f: {  	v3 =	vperm.xlane v3, v2;
	v4 =	vadd.s32 v1, v4;
	_ =	sdelay $0x1  }
0x20: {  	v3 =	vadd.s32 v1, v3;
	_ =	sdelay $0x2  }
0x21: {  	[tilespmem:s11], [sflag:$0x1] =	stream.indirect_vreg.gather [hbm4b:s3+s2], $0x80, v4, vm0, $0xb8;
	[tilespmem:$0x8100] =	vst v63  }
0x22: {  	_ = 	snop  }
0x23: {  	[tilespmem:s12], [sflag:$0x1] =	stream.indirect_vreg.gather [hbm4b:s3+s2], $0x80, v3, vm0, $0xb8;
	[tilespmem:$0x8100] =	vst v63  }
0x24: {  	v3 =	vld [tilespmem:$0x10];
	_ =	sdelay $0x4  }
0x25: {  	v49 =	vshll.u32 v3, $0x1  }
0x26: {  	v3 =	vand.u32 $0x7, v3;
	v4 =	vand.u32 $0xFFFFFFF0, v49  }
0x27: {  	v3 =	vor.u32 v3, v4  }
0x28: {  	v4 =	vperm.xlane v3, v0;
	_ =	sdelay $0x1  }
0x29: {  	v3 =	vperm.xlane v3, v2;
	v4 =	vadd.s32 v1, v4;
	_ =	sdelay $0x1  }
0x2a: {  	v3 =	vadd.s32 v1, v3;
	_ =	sdelay $0x2  }
0x2b: {  	[tilespmem:s13], [sflag:$0x1] =	stream.indirect_vreg.gather [hbm4b:s3+s2], $0x80, v4, vm0, $0xb8;
	[tilespmem:$0x8100] =	vst v63  }
0x2c: {  	_ = 	snop  }
0x2d: {  	[tilespmem:s14], [sflag:$0x1] =	stream.indirect_vreg.gather [hbm4b:s3+s2], $0x80, v3, vm0, $0xb8;
	[tilespmem:$0x8100] =	vst v63  }
0x2e: {  	v3 =	vld [tilespmem:$0x20];
	_ =	sdelay $0x4  }
0x2f: {  	v50 =	vshll.u32 v3, $0x1  }
0x30: {  	v3 =	vand.u32 $0x7, v3;
	v4 =	vand.u32 $0xFFFFFFF0, v50  }
0x31: {  	v3 =	vor.u32 v3, v4  }
0x32: {  	v4 =	vperm.xlane v3, v0;
	_ =	sdelay $0x1  }
0x33: {  	v3 =	vperm.xlane v3, v2;
	v4 =	vadd.s32 v1, v4;
	_ =	sdelay $0x1  }
0x34: {  	v3 =	vadd.s32 v1, v3;
	_ =	sdelay $0x2  }
0x35: {  	[tilespmem:s15], [sflag:$0x1] =	stream.indirect_vreg.gather [hbm4b:s3+s2], $0x80, v4, vm0, $0xb8;
	[tilespmem:$0x8100] =	vst v63  }
0x36: {  	_ = 	snop  }
0x37: {  	[tilespmem:s16], [sflag:$0x1] =	stream.indirect_vreg.gather [hbm4b:s3+s2], $0x80, v3, vm0, $0xb8;
	[tilespmem:$0x8100] =	vst v63  }
0x38: {  	v3 =	vld [tilespmem:$0x30];
	_ =	sdelay $0x4  }
0x39: {  	v51 =	vshll.u32 v3, $0x1  }
0x3a: {  	v3 =	vand.u32 $0x7, v3;
	v4 =	vand.u32 $0xFFFFFFF0, v51  }
0x3b: {  	v3 =	vor.u32 v3, v4  }
0x3c: {  	v4 =	vperm.xlane v3, v0;
	_ =	sdelay $0x1  }
0x3d: {  	v3 =	vperm.xlane v3, v2;
	v4 =	vadd.s32 v1, v4;
	_ =	sdelay $0x1  }
0x3e: {  	v3 =	vadd.s32 v1, v3;
	_ =	sdelay $0x2  }
0x3f: {  	[tilespmem:s17], [sflag:$0x1] =	stream.indirect_vreg.gather [hbm4b:s3+s2], $0x80, v4, vm0, $0xb8;
	[tilespmem:$0x8100] =	vst v63  }
0x40: {  	_ = 	snop  }
0x41: {  	[tilespmem:s18], [sflag:$0x1] =	stream.indirect_vreg.gather [hbm4b:s3+s2], $0x80, v3, vm0, $0xb8;
	[tilespmem:$0x8100] =	vst v63  }
0x42: {  	v3 =	vld [tilespmem:$0x40];
	_ =	sdelay $0x4  }
0x43: {  	v52 =	vshll.u32 v3, $0x1  }
0x44: {  	v3 =	vand.u32 $0x7, v3;
	v4 =	vand.u32 $0xFFFFFFF0, v52  }
0x45: {  	v3 =	vor.u32 v3, v4  }
0x46: {  	v4 =	vperm.xlane v3, v0;
	_ =	sdelay $0x1  }
0x47: {  	v3 =	vperm.xlane v3, v2;
	v4 =	vadd.s32 v1, v4;
	_ =	sdelay $0x1  }
0x48: {  	v3 =	vadd.s32 v1, v3;
	_ =	sdelay $0x2  }
0x49: {  	[tilespmem:s19], [sflag:$0x1] =	stream.indirect_vreg.gather [hbm4b:s3+s2], $0x80, v4, vm0, $0xb8;
	[tilespmem:$0x8100] =	vst v63  }
0x4a: {  	_ = 	snop  }
0x4b: {  	[tilespmem:s20], [sflag:$0x1] =	stream.indirect_vreg.gather [hbm4b:s3+s2], $0x80, v3, vm0, $0xb8;
	[tilespmem:$0x8100] =	vst v63  }
0x4c: {  	v3 =	vld [tilespmem:$0x50];
	_ =	sdelay $0x4  }
0x4d: {  	v53 =	vshll.u32 v3, $0x1  }
0x4e: {  	v3 =	vand.u32 $0x7, v3;
	v4 =	vand.u32 $0xFFFFFFF0, v53  }
0x4f: {  	v3 =	vor.u32 v3, v4  }
0x50: {  	v4 =	vperm.xlane v3, v0;
	_ =	sdelay $0x1  }
0x51: {  	v3 =	vperm.xlane v3, v2;
	v4 =	vadd.s32 v1, v4;
	_ =	sdelay $0x1  }
0x52: {  	v3 =	vadd.s32 v1, v3;
	_ =	sdelay $0x2  }
0x53: {  	[tilespmem:s21], [sflag:$0x1] =	stream.indirect_vreg.gather [hbm4b:s3+s2], $0x80, v4, vm0, $0xb8;
	[tilespmem:$0x8100] =	vst v63  }
0x54: {  	_ = 	snop  }
0x55: {  	[tilespmem:s22], [sflag:$0x1] =	stream.indirect_vreg.gather [hbm4b:s3+s2], $0x80, v3, vm0, $0xb8;
	[tilespmem:$0x8100] =	vst v63  }
0x56: {  	v3 =	vld [tilespmem:$0x60];
	_ =	sdelay $0x4  }
0x57: {  	v54 =	vshll.u32 v3, $0x1  }
0x58: {  	v3 =	vand.u32 $0x7, v3;
	v4 =	vand.u32 $0xFFFFFFF0, v54  }
0x59: {  	v3 =	vor.u32 v3, v4  }
0x5a: {  	v4 =	vperm.xlane v3, v0;
	_ =	sdelay $0x1  }
0x5b: {  	v3 =	vperm.xlane v3, v2;
	v4 =	vadd.s32 v1, v4;
	_ =	sdelay $0x1  }
0x5c: {  	v3 =	vadd.s32 v1, v3;
	_ =	sdelay $0x2  }
0x5d: {  	[tilespmem:s23], [sflag:$0x1] =	stream.indirect_vreg.gather [hbm4b:s3+s2], $0x80, v4, vm0, $0xb8;
	[tilespmem:$0x8100] =	vst v63  }
0x5e: {  	_ = 	snop  }
0x5f: {  	[tilespmem:s24], [sflag:$0x1] =	stream.indirect_vreg.gather [hbm4b:s3+s2], $0x80, v3, vm0, $0xb8;
	[tilespmem:$0x8100] =	vst v63  }
0x60: {  	v3 =	vld [tilespmem:$0x70];
	_ =	sdelay $0x4  }
0x61: {  	v55 =	vshll.u32 v3, $0x1  }
0x62: {  	v3 =	vand.u32 $0x7, v3;
	v4 =	vand.u32 $0xFFFFFFF0, v55  }
0x63: {  	v3 =	vor.u32 v3, v4  }
0x64: {  	v4 =	vperm.xlane v3, v0;
	_ =	sdelay $0x1  }
0x65: {  	v3 =	vperm.xlane v3, v2;
	v4 =	vadd.s32 v1, v4;
	_ =	sdelay $0x1  }
0x66: {  	v3 =	vadd.s32 v1, v3;
	_ =	sdelay $0x2  }
0x67: {  	[tilespmem:s25], [sflag:$0x1] =	stream.indirect_vreg.gather [hbm4b:s3+s2], $0x80, v4, vm0, $0xb8;
	[tilespmem:$0x8100] =	vst v63  }
0x68: {  	_ = 	snop  }
0x69: {  	[tilespmem:s26], [sflag:$0x1] =	stream.indirect_vreg.gather [hbm4b:s3+s2], $0x80, v3, vm0, $0xb8;
	[tilespmem:$0x8100] =	vst v63  }
0x6a: {  	_ =	swait.ge [sflag:s28], $0x8000  }
0x6b: {  	[sflag:s28] =	ssyncset.done $0x0  }
0x6c: {  	[sflag:s28] =	ssyncadd.s32 $0xFFFF8000  }
0x6d: {  	v3 =	vld [tilespmem:$0x80];
	_ =	sdelay $0x4  }
0x6e: {  	v56 =	vshll.u32 v3, $0x1  }
0x6f: {  	v3 =	vand.u32 $0x7, v3;
	v4 =	vand.u32 $0xFFFFFFF0, v56  }
0x70: {  	v3 =	vor.u32 v3, v4  }
0x71: {  	v4 =	vperm.xlane v3, v0;
	_ =	sdelay $0x1  }
0x72: {  	v3 =	vperm.xlane v3, v2;
	v4 =	vadd.s32 v1, v4;
	_ =	sdelay $0x1  }
0x73: {  	v3 =	vadd.s32 v1, v3;
	_ =	sdelay $0x2  }
0x74: {  	[hbm4b:s5+s2] =	stream.indirect_vreg.scatter [tilespmem:s11], [sflag:$0x2], $0x80, v4, vm0, $0xb8;
	[tilespmem:$0x8100] =	vst v63  }
0x75: {  	_ = 	snop  }
0x76: {  	[hbm4b:s5+s2] =	stream.indirect_vreg.scatter [tilespmem:s12], [sflag:$0x2], $0x80, v3, vm0, $0xb8;
	[tilespmem:$0x8100] =	vst v63  }
0x77: {  	v3 =	vld [tilespmem:$0x90];
	_ =	sdelay $0x4  }
0x78: {  	v57 =	vshll.u32 v3, $0x1  }
0x79: {  	v3 =	vand.u32 $0x7, v3;
	v4 =	vand.u32 $0xFFFFFFF0, v57  }
0x7a: {  	v3 =	vor.u32 v3, v4  }
0x7b: {  	v4 =	vperm.xlane v3, v0;
	_ =	sdelay $0x1  }
0x7c: {  	v3 =	vperm.xlane v3, v2;
	v4 =	vadd.s32 v1, v4;
	_ =	sdelay $0x1  }
0x7d: {  	v3 =	vadd.s32 v1, v3;
	_ =	sdelay $0x2  }
0x7e: {  	[hbm4b:s5+s2] =	stream.indirect_vreg.scatter [tilespmem:s13], [sflag:$0x2], $0x80, v4, vm0, $0xb8;
	[tilespmem:$0x8100] =	vst v63  }
0x7f: {  	_ = 	snop  }
0x80: {  	[hbm4b:s5+s2] =	stream.indirect_vreg.scatter [tilespmem:s14], [sflag:$0x2], $0x80, v3, vm0, $0xb8;
	[tilespmem:$0x8100] =	vst v63  }
0x81: {  	v3 =	vld [tilespmem:$0xA0];
	_ =	sdelay $0x4  }
0x82: {  	v58 =	vshll.u32 v3, $0x1  }
0x83: {  	v3 =	vand.u32 $0x7, v3;
	v4 =	vand.u32 $0xFFFFFFF0, v58  }
0x84: {  	v3 =	vor.u32 v3, v4  }
0x85: {  	v4 =	vperm.xlane v3, v0;
	_ =	sdelay $0x1  }
0x86: {  	v3 =	vperm.xlane v3, v2;
	v4 =	vadd.s32 v1, v4;
	_ =	sdelay $0x1  }
0x87: {  	v3 =	vadd.s32 v1, v3;
	_ =	sdelay $0x2  }
0x88: {  	[hbm4b:s5+s2] =	stream.indirect_vreg.scatter [tilespmem:s15], [sflag:$0x2], $0x80, v4, vm0, $0xb8;
	[tilespmem:$0x8100] =	vst v63  }
0x89: {  	_ = 	snop  }
0x8a: {  	[hbm4b:s5+s2] =	stream.indirect_vreg.scatter [tilespmem:s16], [sflag:$0x2], $0x80, v3, vm0, $0xb8;
	[tilespmem:$0x8100] =	vst v63  }
0x8b: {  	v3 =	vld [tilespmem:$0xB0];
	_ =	sdelay $0x4  }
0x8c: {  	v59 =	vshll.u32 v3, $0x1  }
0x8d: {  	v3 =	vand.u32 $0x7, v3;
	v4 =	vand.u32 $0xFFFFFFF0, v59  }
0x8e: {  	v3 =	vor.u32 v3, v4  }
0x8f: {  	v4 =	vperm.xlane v3, v0;
	_ =	sdelay $0x1  }
0x90: {  	v3 =	vperm.xlane v3, v2;
	v4 =	vadd.s32 v1, v4;
	_ =	sdelay $0x1  }
0x91: {  	v3 =	vadd.s32 v1, v3;
	_ =	sdelay $0x2  }
0x92: {  	[hbm4b:s5+s2] =	stream.indirect_vreg.scatter [tilespmem:s17], [sflag:$0x2], $0x80, v4, vm0, $0xb8;
	[tilespmem:$0x8100] =	vst v63  }
0x93: {  	_ = 	snop  }
0x94: {  	[hbm4b:s5+s2] =	stream.indirect_vreg.scatter [tilespmem:s18], [sflag:$0x2], $0x80, v3, vm0, $0xb8;
	[tilespmem:$0x8100] =	vst v63  }
0x95: {  	v3 =	vld [tilespmem:$0xC0];
	_ =	sdelay $0x4  }
0x96: {  	v60 =	vshll.u32 v3, $0x1  }
0x97: {  	v3 =	vand.u32 $0x7, v3;
	v4 =	vand.u32 $0xFFFFFFF0, v60  }
0x98: {  	v3 =	vor.u32 v3, v4  }
0x99: {  	v4 =	vperm.xlane v3, v0;
	_ =	sdelay $0x1  }
0x9a: {  	v3 =	vperm.xlane v3, v2;
	v4 =	vadd.s32 v1, v4;
	_ =	sdelay $0x1  }
0x9b: {  	v3 =	vadd.s32 v1, v3;
	_ =	sdelay $0x2  }
0x9c: {  	[hbm4b:s5+s2] =	stream.indirect_vreg.scatter [tilespmem:s19], [sflag:$0x2], $0x80, v4, vm0, $0xb8;
	[tilespmem:$0x8100] =	vst v63  }
0x9d: {  	_ = 	snop  }
0x9e: {  	[hbm4b:s5+s2] =	stream.indirect_vreg.scatter [tilespmem:s20], [sflag:$0x2], $0x80, v3, vm0, $0xb8;
	[tilespmem:$0x8100] =	vst v63  }
0x9f: {  	v3 =	vld [tilespmem:$0xD0];
	_ =	sdelay $0x4  }
0xa0: {  	v61 =	vshll.u32 v3, $0x1  }
0xa1: {  	v3 =	vand.u32 $0x7, v3;
	v4 =	vand.u32 $0xFFFFFFF0, v61  }
0xa2: {  	v3 =	vor.u32 v3, v4  }
0xa3: {  	v4 =	vperm.xlane v3, v0;
	_ =	sdelay $0x1  }
0xa4: {  	v3 =	vperm.xlane v3, v2;
	v4 =	vadd.s32 v1, v4;
	_ =	sdelay $0x1  }
0xa5: {  	v3 =	vadd.s32 v1, v3;
	_ =	sdelay $0x2  }
0xa6: {  	[hbm4b:s5+s2] =	stream.indirect_vreg.scatter [tilespmem:s21], [sflag:$0x2], $0x80, v4, vm0, $0xb8;
	[tilespmem:$0x8100] =	vst v63  }
0xa7: {  	_ = 	snop  }
0xa8: {  	[hbm4b:s5+s2] =	stream.indirect_vreg.scatter [tilespmem:s22], [sflag:$0x2], $0x80, v3, vm0, $0xb8;
	[tilespmem:$0x8100] =	vst v63  }
0xa9: {  	v3 =	vld [tilespmem:$0xE0];
	_ =	sdelay $0x4  }
0xaa: {  	v62 =	vshll.u32 v3, $0x1  }
0xab: {  	v3 =	vand.u32 $0x7, v3;
	v4 =	vand.u32 $0xFFFFFFF0, v62  }
0xac: {  	v3 =	vor.u32 v3, v4  }
0xad: {  	v4 =	vperm.xlane v3, v0;
	_ =	sdelay $0x1  }
0xae: {  	v3 =	vperm.xlane v3, v2;
	v4 =	vadd.s32 v1, v4;
	_ =	sdelay $0x1  }
0xaf: {  	v3 =	vadd.s32 v1, v3;
	_ =	sdelay $0x2  }
0xb0: {  	[hbm4b:s5+s2] =	stream.indirect_vreg.scatter [tilespmem:s23], [sflag:$0x2], $0x80, v4, vm0, $0xb8;
	[tilespmem:$0x8100] =	vst v63  }
0xb1: {  	_ = 	snop  }
0xb2: {  	[hbm4b:s5+s2] =	stream.indirect_vreg.scatter [tilespmem:s24], [sflag:$0x2], $0x80, v3, vm0, $0xb8;
	[tilespmem:$0x8100] =	vst v63  }
0xb3: {  	v3 =	vld [tilespmem:$0xF0];
	_ =	sdelay $0x4  }
0xb4: {  	v63 =	vshll.u32 v3, $0x1  }
0xb5: {  	v3 =	vand.u32 $0x7, v3;
	v4 =	vand.u32 $0xFFFFFFF0, v63  }
0xb6: {  	v3 =	vor.u32 v3, v4  }
0xb7: {  	v4 =	vperm.xlane v3, v0;
	_ =	sdelay $0x1  }
0xb8: {  	v3 =	vperm.xlane v3, v2;
	v4 =	vadd.s32 v1, v4;
	_ =	sdelay $0x1  }
0xb9: {  	v3 =	vadd.s32 v1, v3;
	_ =	sdelay $0x1  }
0xba: {  	p0 =	sne.s32 s4, $0x1  }
0xbb: {  	[hbm4b:s5+s2] =	stream.indirect_vreg.scatter [tilespmem:s25], [sflag:$0x2], $0x80, v4, vm0, $0xb8;
	[tilespmem:$0x8100] =	vst v63  }
.Ltmp0:
0xbc: {  	_ = 	snop;
	(pc) =	sbr.rel @p0 .LBB2_2-.Ltmp0, $4  }
0xbd: {  	[hbm4b:s5+s2] =	stream.indirect_vreg.scatter [tilespmem:s26], [sflag:$0x2], $0x80, v3, vm0, $0xb8;
	[tilespmem:$0x8100] =	vst v63  }
0xbe: {  	_ =	swait.ge [sflag:s29], $0x8000  }
0xbf: {  	s31 =	sadd.s32 $0x10, s31;
	[sflag:s29] =	ssyncset.done $0x0  }
0xc0: {  	s4 =	sadd.s32 $0xFFFFFFFF, s4;
	s7 =	sadd.s32 $0x10, s7;
	[sflag:s29] =	ssyncadd.s32 $0xFFFF8000  }
0xc1: {  	s30 =	sadd.s32 $0x1, s30  }
0xc2: {  	p0 =	sne.s32 s30, s6  }
.Ltmp1:
0xc3: {  	_ = 	snop;
	(pc) =	sbr.rel @p0 .LBB2_1-.Ltmp1, $1  }
0xc4: {  	_ =	sdelay $0x3  }
0xc5: {  	_ =	sfence.sel $0x180000  }
0xc6: {  	[bflag:$0x0] =	sbarrier.arrive $0xFFFF  }
0xc7: {  	_ =	strace $0x9000004A  }
0xc8: {  	s0 =	stileid.u32;
	[bflag:$0x2] =	sbarrier.arrive $0xFFFF  }
0xc9: {  	p0 =	sne.s32 s0, $0x0;
	s0 =	rddreg [dreg:$0x1]  }
0xca: {  	s0 =	sadd.s32 @!p0 $0x100000, s0  }
0xcb: {  	[sflag:s0] =	ssyncadd.tile.s32 @!p0 $0x1;
	_ =	shalt  }
.Lfunc_end2:
_tile_overlayer_lowered:
.L_overlay_start_2:
0xcc: {  	(tag) =	ssettag $0x2  }
0xcd: {  	s0 =	rddreg [dreg:$0x0];
	s2 =	stileid.u32  }
0xce: {  	s1 =	rddreg [dreg:$0x1];
	p0 =	sne.s32 s2, $0x0  }
0xcf: {  	s3 =	rddreg [dreg:$0x2];
	[bflag:$0x3] =	sbarrier.arrive $0xFFFF;
	s2 =	simm.s32 @!p0 $0x1C03  }
0xd0: {  	[timem:s3], [sflag:s2] =	dma.local @!p0 [hbm:s0], s1  }
0xd1: {  	s0 =	simm.s32 @!p0 $0x3  }
0xd2: {  	_ =	swait.ge @!p0 [sflag:s0], s1  }
0xd3: {  	s1 =	ssub.s32 @!p0 $0x0, s1;
	[sflag:s0] =	ssyncset.done @!p0 $0x0  }
0xd4: {  	[sflag:s0] =	ssyncadd.s32 @!p0 s1  }
0xd5: {  	[bflag:$0x3] =	sbarrier.arrive $0xFFFF  }
0xd6: {  	_ =	shalt  }

// kernel: kernel.17.cloned.1.call-start
scs
__scs_entry_jumppad:
0x0: {  	(pc) =	sbr.rel $0x88, $3  }
0x1: {  	(tag) =	ssettag $0x0;
	lr =	simm.s32 $0x1  }
0x2: {  	[smem:$0x3F95] =	sst lr;
	_ =	strace $0xD0000000  }
0x3: {  	_ = 	snop  }
0x4: {  	_ = 	snop  }
0x5: {  	_ = 	snop  }
0x6: {  	_ = 	snop  }
0x7: {  	_ = 	snop  }
__scs_overlays_trampoline_lowered:
0x8: {  	[smem:$0x3FA4] =	sst s0  }
0x9: {  	[smem:$0x3FA5] =	sst s1  }
0xa: {  	[smem:$0x3FA6] =	sst s2  }
0xb: {  	[smem:$0x3FA7] =	sst s3  }
0xc: {  	[smem:$0x3FA8] =	sst s4  }
0xd: {  	[smem:$0x3FA9] =	sst s5  }
0xe: {  	[smem:$0x3FAA] =	sst s6  }
0xf: {  	[smem:$0x3FAB] =	sst s7  }
0x10: {  	[smem:$0x3FAC] =	sst s8  }
0x11: {  	[smem:$0x3FAD] =	sst s9;
	s0 =	simm.s32 @!p0 $0x0  }
0x12: {  	s1 =	sld [smem:$0x3F93];
	s0 =	simm.s32 @p0 $0x1  }
0x13: {  	[smem:$0x3FAE] =	sst s0;
	s0 =	simm.s32 @!p1 $0x0  }
0x14: {  	s2 =	sld [smem:$0x3F92];
	s0 =	simm.s32 @p1 $0x1  }
0x15: {  	[smem:$0x3FAF] =	sst s0;
	s0 =	simm.s32 @!p2 $0x0  }
0x16: {  	s3 =	sld [smem:$0x3FDB];
	s0 =	simm.s32 @p2 $0x1  }
0x17: {  	s4 =	simm.s32 $0x1BF5;
	[smem:$0x3FB1] =	sst s0  }
0x18: {  	s0 =	sld [smem:$0x3F94];
	_ =	swait.ge [sflag:s4], $0x0  }
0x19: {  	s7 =	sld [smem:$0x3F95]  }
0x1a: {  	s8 =	sadd.s32 $0xFFFFE003, lr  }
0x1b: {  	s9 =	sadd.s32 $0xFFFFFEF7, lr;
	s5 =	simm.s32 $0xFFFFFFFF;
	p2 =	slt.u32 s8, $0xFFFFF086  }
0x1c: {  	p1 =	slt.u32 s9, $0xF7A;
	s5 =	simm.s32 @!p2 $0x0  }
0x1d: {  	s5 =	simm.s32 @p1 $0x1;
	p0 =	seq.s32 s7, s2  }
0x1e: {  	s7 =	smul.u32 @!p0 $0xF7A, s2;
	p2 =	seq.s32 @!p0 s5, $0x0  }
0x1f: {  	s9 =	smul.u32 $0xF7A, s1;
	s8 =	simm.s32 @!p0 $0x1BF5;
	p2 =	por !p2, p0  }
0x20: {  	[sflag:s8] =	ssyncset.s32 @!p0 $0xFFFFF086;
	s6 =	sadd.s32 @!p0 s3, s7;
	s7 =	simm.s32 @!p0 $0x108  }
0x21: {  	s3 =	sadd.s32 s3, s9;
	s6 =	sadd.s32 @!p0 $0x88, s6;
	s7 =	simm.s32 @p2 $0x1082  }
0x22: {  	[simem:s7], [sflag:s8] =	dma.local @!p0 [hbm:s6], $0xF7A  }
0x23: {  	s9 =	sor.u32 $0xD0000000, s2;
	s6 =	simm.s32 $0x108;
	_ =	swait.ge @!p0 [sflag:s8], $0x0  }
0x24: {  	s3 =	sadd.s32 $0x88, s3;
	s6 =	simm.s32 @!p1 $0x1082;
	[sflag:s4] =	ssyncset.s32 $0xFFFFF086  }
0x25: {  	[simem:s6], [sflag:s4] =	dma.local [hbm:s3], $0xF7A  }
0x26: {  	[smem:$0x3F95] =	sst s1;
	(tag) =	ssettag s2;
	_ =	strace s9  }
0x27: {  	s1 =	sld [smem:$0x3FA5]  }
0x28: {  	s2 =	sld [smem:$0x3FA6]  }
0x29: {  	s4 =	sld [smem:$0x3FA8]  }
0x2a: {  	p0 =	seq.s32 s5, $0x0;
	s5 =	sld [smem:$0x3FA9]  }
0x2b: {  	s6 =	sld [smem:$0x3FAA]  }
0x2c: {  	s7 =	sld [smem:$0x3FAB]  }
0x2d: {  	s3 =	simm.s32 $0x108;
	s8 =	sld [smem:$0x3FAC]  }
0x2e: {  	s3 =	simm.s32 @!p0 $0x1082;
	s9 =	sld [smem:$0x3FAD]  }
0x2f: {  	lr =	sadd.s32 s0, s3;
	s0 =	sld [smem:$0x3FA4]  }
0x30: {  	s3 =	sld [smem:$0x3FA7]  }
0x31: {  	[smem:$0x3FB0] =	sst s10  }
0x32: {  	s10 =	sld [smem:$0x3FAE];
	_ =	sdelay $0x3  }
0x33: {  	p0 =	seq.s32 s10, $0x1;
	s10 =	sld [smem:$0x3FB0];
	_ =	sdelay $0x3  }
0x34: {  	[smem:$0x3FB0] =	sst s10  }
0x35: {  	s10 =	sld [smem:$0x3FAF];
	_ =	sdelay $0x3  }
0x36: {  	p1 =	seq.s32 s10, $0x1;
	s10 =	sld [smem:$0x3FB0];
	_ =	sdelay $0x3  }
0x37: {  	[smem:$0x3FB0] =	sst s10  }
0x38: {  	s10 =	sld [smem:$0x3FB1]  }
0x39: {  	_ = 	snop;
	(pc) =	sbr.ind lr, $3  }
0x3a: {  	_ = 	snop  }
0x3b: {  	_ = 	snop  }
0x3c: {  	p2 =	seq.s32 s10, $0x1;
	s10 =	sld [smem:$0x3FB0]  }
0x3d: {  	_ =	shalt  }
0x3e: {  	_ =	shalt  }
0x3f: {  	_ =	shalt  }
0x40: {  	_ =	shalt  }
0x41: {  	_ =	shalt  }
0x42: {  	_ =	shalt  }
0x43: {  	_ =	shalt  }
0x44: {  	_ =	shalt  }
0x45: {  	_ =	shalt  }
0x46: {  	_ =	shalt  }
0x47: {  	_ =	shalt  }
0x48: {  	_ =	shalt  }
0x49: {  	_ =	shalt  }
0x4a: {  	_ =	shalt  }
0x4b: {  	_ =	shalt  }
0x4c: {  	_ =	shalt  }
0x4d: {  	_ =	shalt  }
0x4e: {  	_ =	shalt  }
0x4f: {  	_ =	shalt  }
0x50: {  	_ =	shalt  }
0x51: {  	_ =	shalt  }
0x52: {  	_ =	shalt  }
0x53: {  	_ =	shalt  }
0x54: {  	_ =	shalt  }
0x55: {  	_ =	shalt  }
0x56: {  	_ =	shalt  }
0x57: {  	_ =	shalt  }
0x58: {  	_ =	shalt  }
0x59: {  	_ =	shalt  }
0x5a: {  	_ =	shalt  }
0x5b: {  	_ =	shalt  }
0x5c: {  	_ =	shalt  }
0x5d: {  	_ =	shalt  }
0x5e: {  	_ =	shalt  }
0x5f: {  	_ =	shalt  }
0x60: {  	_ =	shalt  }
0x61: {  	_ =	shalt  }
0x62: {  	_ =	shalt  }
0x63: {  	_ =	shalt  }
0x64: {  	_ =	shalt  }
0x65: {  	_ =	shalt  }
0x66: {  	_ =	shalt  }
0x67: {  	_ =	shalt  }
0x68: {  	_ =	shalt  }
0x69: {  	_ =	shalt  }
0x6a: {  	_ =	shalt  }
0x6b: {  	_ =	shalt  }
0x6c: {  	_ =	shalt  }
0x6d: {  	_ =	shalt  }
0x6e: {  	_ =	shalt  }
0x6f: {  	_ =	shalt  }
0x70: {  	_ =	shalt  }
0x71: {  	_ =	shalt  }
0x72: {  	_ =	shalt  }
0x73: {  	_ =	shalt  }
0x74: {  	_ =	shalt  }
0x75: {  	_ =	shalt  }
0x76: {  	_ =	shalt  }
0x77: {  	_ =	shalt  }
0x78: {  	_ =	shalt  }
0x79: {  	_ =	shalt  }
0x7a: {  	_ =	shalt  }
0x7b: {  	_ =	shalt  }
0x7c: {  	_ =	shalt  }
0x7d: {  	_ =	shalt  }
0x7e: {  	_ =	shalt  }
0x7f: {  	_ =	shalt  }
0x80: {  	_ =	shalt  }
0x81: {  	_ =	shalt  }
0x82: {  	_ =	shalt  }
0x83: {  	_ =	shalt  }
0x84: {  	_ =	shalt  }
0x85: {  	_ =	shalt  }
0x86: {  	_ =	shalt  }
0x87: {  	_ =	shalt  }
.Lfunc_end0:
.L_simem_size_0:
called_computation.2_lowered:
.L_overlay_start_0:
0x88: {  	s2 =	sld [smem:$0x3FD9]  }
0x89: {  	s3 =	sld [smem:$0x3FFE];
	_ =	sdelay $0x1  }
0x8a: {  	s1 =	srdreg.scid  }
0x8b: {  	s0 =	sand.u32 $0x1, s1  }
0x8c: {  	s16 =	sshll.u32 s0, $0xA;
	s2 =	sadd.s32 s3, s2  }
0x8d: {  	s2 =	sadd.s32 s2, s16  }
0x8e: {  	[smem:$0x3FBC] =	sst s2  }
0x8f: {  	_ = 	snop  }
0x90: {  	(tm) =	ssettm $0x1  }
0x91: {  	s17 =	sld [smem:$0x3FFB];
	_ =	sdelay $0x3  }
0x92: {  	_ =	strace s17  }
0x93: {  	s2 =	sld [smem:$0x3FFC];
	_ =	sdelay $0x3  }
0x94: {  	_ =	strace s2  }
0x95: {  	s2 =	sld [smem:$0x3FFD];
	_ =	sdelay $0x3  }
0x96: {  	_ =	strace s2  }
0x97: {  	_ =	strace $0x8FFFFFFF  }
0x98: {  	s18 =	sld [smem:$0x3FDB];
	_ =	sdelay $0x1  }
0x99: {  	s19 =	simm.s32 $_scs_section_size  }
0x9a: {  	s4 =	simm.s32 $_size__tile_overlayer_lowered;
	s5 =	simm.s32 $_tile_overlayer_lowered  }
0x9b: {  	s22 =	simm.s32 $0x1BFF;
	s21 =	sshll.u32 s5, $0x1;
	s2 =	sadd.s32 s19, s18  }
0x9c: {  	s6 =	simm.s32 $0x0;
	s20 =	sshll.u32 s4, $0x1;
	s4 =	sadd.s32 s21, s2  }
0x9d: {  	[timem:s6], [sflag:s22] =	dma.local [hbm:s4], s20  }
0x9e: {  	_ =	swait.ge [sflag:s22], s20  }
0x9f: {  	s3 =	ssub.s32 $0x0, s20;
	[sflag:s22] =	ssyncset.done $0x0  }
0xa0: {  	[sflag:s22] =	ssyncadd.s32 s3;
	_ =	sdelay $0x1  }
0xa1: {  	s23 =	simm.s32 $0x1B8B  }
0xa2: {  	_ =	swait.ge [sflag:s23], $0x1  }
0xa3: {  	[sflag:s23] =	ssyncset.done $0x0  }
0xa4: {  	s25 =	simm.s32 $0x1B8E;
	s24 =	sld [smem:$0x3FFE];
	[sflag:s23] =	ssyncadd.s32 $0xFFFFFFFF  }
0xa5: {  	s26 =	simm.s32 $execute0_lowered;
	[smem:$0x3FD2] =	sst s25  }
0xa6: {  	s4 =	sshll.u32 s26, $0x1;
	_ =	strace $0x8000004C;
	[dreg:$0x1] =	wrdreg $0xFFFFFFFF  }
0xa7: {  	s28 =	simm.s32 $_size_execute0_lowered;
	s2 =	sadd.s32 s2, s4;
	[dreg:$0x0] =	wrdreg $0x0  }
0xa8: {  	s4 =	sshll.u32 s28, $0x1;
	[dreg:$0x2] =	wrdreg s2  }
0xa9: {  	[dreg:$0x3] =	wrdreg s4  }
0xaa: {  	[dreg:$0x4] =	wrdreg $0xC0  }
0xab: {  	_ =	task [dreg:s6], $0x5FFFF  }
0xac: {  	[dreg:$0x1] =	wrdreg $0xFFFFFFFF  }
0xad: {  	[dreg:$0x0] =	wrdreg $0x60  }
0xae: {  	[dreg:$0x2] =	wrdreg s24  }
0xaf: {  	[dreg:$0x3] =	wrdreg $0x9  }
0xb0: {  	_ =	task.clear_ibuf [dreg:s6], $0x4FFFF;
	_ =	strace $0x9000004C  }
0xb1: {  	s29 =	simm.s32 $0x9;
	_ =	strace $0x8000004E  }
0xb2: {  	_ =	swait.ge [sflag:s29], $0x1  }
0xb3: {  	[sflag:s29] =	ssyncadd.s32 $0xFFFFFFFF  }
0xb4: {  	_ =	strace $0x9000004E  }
0xb5: {  	_ =	sfence  }
0xb6: {  	s30 =	sld [smem:$0x0];
	_ =	sdelay $0x2  }
0xb7: {  	s31 =	sshll.u32 s1, $0xD;
	s1 =	sshrl.u32 s1, $0x2  }
0xb8: {  	s3 =	sand.u32 $0x4000, s31;
	s1 =	sadd.s32 s1, s30  }
0xb9: {  	s0 =	sor.u32 s3, s0;
	s1 =	sshll.u32 s1, $0x11  }
0xba: {  	s0 =	sor.u32 s1, s0  }
0xbb: {  	s0 =	sadd.s32 $0x8F2B, s0  }
0xbc: {  	[sflag:s0] =	ssyncadd.remote.s32 $0x1  }
0xbd: {  	_ =	sfence.sel $0xFFFF  }
0xbe: {  	[dreg:$0x0] =	wrdreg $0xFFFFFFFF;
	(pc) =	sbr.abs _section_cstart, $3  }
0xbf: {  	[dreg:$0x1] =	wrdreg $0xFFFFFFFF  }
0xc0: {  	_ =	task.clear_ibuf [dreg:s6], $0x2FFFF;
	_ =	strace $0x9FFFFFFF  }
0xc1: {  	(tm) =	ssettm $0x7FFFFFFF  }
tec
execute0_lowered:
.L_overlay_start_1:
0x0: {  	(tag) =	ssettag $0x1  }
0x1: {  	s0 =	rddreg [dreg:$0x0]  }
0x2: {  	s4 =	stileid.u32;
	s1 =	srdreg.scid  }
0x3: {  	s2 =	simm.s32 $0x0;
	s9 =	simm.s32 $0x3;
	s10 =	simm.s32 $0x80  }
0x4: {  	s11 =	simm.s32 $0x100;
	s12 =	simm.s32 $0x900;
	s13 =	simm.s32 $0x1100  }
0x5: {  	s14 =	simm.s32 $0x1900;
	s15 =	simm.s32 $0x2100;
	s16 =	simm.s32 $0x2900  }
0x6: {  	s17 =	simm.s32 $0x3100;
	s18 =	simm.s32 $0x3900;
	s19 =	simm.s32 $0x4100  }
0x7: {  	s20 =	simm.s32 $0x4900;
	s21 =	simm.s32 $0x5100;
	s22 =	simm.s32 $0x5900  }
0x8: {  	s23 =	simm.s32 $0x6100;
	s24 =	simm.s32 $0x6900;
	s25 =	simm.s32 $0x7100  }
0x9: {  	s26 =	simm.s32 $0x7900;
	s28 =	simm.s32 $0x1;
	s29 =	simm.s32 $0x2  }
0xa: {  	s30 =	simm.s32 $0x0;
	s3 =	smul.u32 $0x3B, s4;
	s1 =	sand.u32 $0x1, s1  }
0xb: {  	s4 =	smul.u32 $0x63, s4;
	[smem:$0x7FF] =	sst s2;
	p0 =	seq.s32 s1, $0x0  }
0xc: {  	_ =	strace $0x8000004D;
	s6 =	ssub.s32 $0x2, s1;
	s5 =	sadd.s32 $0x630, s3  }
0xd: {  	s1 =	simm.s32 $0x63;
	s3 =	sadd.s32 $0x1FC00, s0;
	s5 =	smov.u32 @p0 s4  }
0xe: {  	v2 =	vlaneseq.u32;
	s7 =	sshrl.u32 s6, $0x1;
	s1 =	simm.s32 @!p0 $0x3B;
	s4 =	sshll.u32 s5, $0x4  }
0xf: {  	vm0 =	vmmov $0xffff;
	v1 =	vshrl.u32 v2, $0x3;
	s31 =	ssub.s32 s6, s7;
	s5 =	sadd.s32 $0x6DE00, s0;
	s4 =	sadd.s32 s4, s0  }
0x10: {  	v0 =	vand.u32 $0x7, v2;
	v2 =	vor.u32 $0x8, v2;
	v1 =	vmul.u32 $0x8, v1;
	s6 =	smax.u32 s31, $0x1;
	s0 =	sadd.s32 $0x2200, s4;
	s8 =	sadd.s32 $0x15E00, s4  }
.LBB2_1:
0x11: {  	s31 =	smov.u32 s8;
	s7 =	smov.u32 s0;
	s4 =	smov.u32 s1  }
.LBB2_2:
0x12: {  	[tilespmem:s2], [sflag:$0x3] =	stream.linear.gather [hbm4b:s31+s2], $0x80, $0x38;
	[tilespmem:$0x8100] =	vst v63  }
0x13: {  	_ =	swait.ge [sflag:s9], $0x80  }
0x14: {  	[sflag:s9] =	ssyncset.done $0x0  }
0x15: {  	[sflag:s9] =	ssyncadd.s32 $0xFFFFFF80  }
0x16: {  	[tilespmem:s10], [sflag:$0x3] =	stream.linear.gather [hbm4b:s7+s2], $0x80, $0x38;
	[tilespmem:$0x8100] =	vst v63  }
0x17: {  	_ =	swait.ge [sflag:s9], $0x80  }
0x18: {  	[sflag:s9] =	ssyncset.done $0x0  }
0x19: {  	[sflag:s9] =	ssyncadd.s32 $0xFFFFFF80  }
0x1a: {  	v3 =	vld [tilespmem:$0x0];
	_ =	sdelay $0x4  }
0x1b: {  	v4 =	vshll.u32 v3, $0x1  }
0x1c: {  	v3 =	vand.u32 $0x7, v3;
	v4 =	vand.u32 $0xFFFFFFF0, v4  }
0x1d: {  	v3 =	vor.u32 v3, v4  }
0x1e: {  	v4 =	vperm.xlane v3, v0;
	_ =	sdelay $0x1  }
0x1f: {  	v3 =	vperm.xlane v3, v2;
	v4 =	vadd.s32 v1, v4;
	_ =	sdelay $0x1  }
0x20: {  	v3 =	vadd.s32 v1, v3;
	_ =	sdelay $0x2  }
0x21: {  	[tilespmem:s11], [sflag:$0x1] =	stream.indirect_vreg.gather [hbm4b:s3+s2], $0x80, v4, vm0, $0xb8;
	[tilespmem:$0x8100] =	vst v63  }
0x22: {  	_ = 	snop  }
0x23: {  	[tilespmem:s12], [sflag:$0x1] =	stream.indirect_vreg.gather [hbm4b:s3+s2], $0x80, v3, vm0, $0xb8;
	[tilespmem:$0x8100] =	vst v63  }
0x24: {  	v3 =	vld [tilespmem:$0x10];
	_ =	sdelay $0x4  }
0x25: {  	v49 =	vshll.u32 v3, $0x1  }
0x26: {  	v3 =	vand.u32 $0x7, v3;
	v4 =	vand.u32 $0xFFFFFFF0, v49  }
0x27: {  	v3 =	vor.u32 v3, v4  }
0x28: {  	v4 =	vperm.xlane v3, v0;
	_ =	sdelay $0x1  }
0x29: {  	v3 =	vperm.xlane v3, v2;
	v4 =	vadd.s32 v1, v4;
	_ =	sdelay $0x1  }
0x2a: {  	v3 =	vadd.s32 v1, v3;
	_ =	sdelay $0x2  }
0x2b: {  	[tilespmem:s13], [sflag:$0x1] =	stream.indirect_vreg.gather [hbm4b:s3+s2], $0x80, v4, vm0, $0xb8;
	[tilespmem:$0x8100] =	vst v63  }
0x2c: {  	_ = 	snop  }
0x2d: {  	[tilespmem:s14], [sflag:$0x1] =	stream.indirect_vreg.gather [hbm4b:s3+s2], $0x80, v3, vm0, $0xb8;
	[tilespmem:$0x8100] =	vst v63  }
0x2e: {  	v3 =	vld [tilespmem:$0x20];
	_ =	sdelay $0x4  }
0x2f: {  	v50 =	vshll.u32 v3, $0x1  }
0x30: {  	v3 =	vand.u32 $0x7, v3;
	v4 =	vand.u32 $0xFFFFFFF0, v50  }
0x31: {  	v3 =	vor.u32 v3, v4  }
0x32: {  	v4 =	vperm.xlane v3, v0;
	_ =	sdelay $0x1  }
0x33: {  	v3 =	vperm.xlane v3, v2;
	v4 =	vadd.s32 v1, v4;
	_ =	sdelay $0x1  }
0x34: {  	v3 =	vadd.s32 v1, v3;
	_ =	sdelay $0x2  }
0x35: {  	[tilespmem:s15], [sflag:$0x1] =	stream.indirect_vreg.gather [hbm4b:s3+s2], $0x80, v4, vm0, $0xb8;
	[tilespmem:$0x8100] =	vst v63  }
0x36: {  	_ = 	snop  }
0x37: {  	[tilespmem:s16], [sflag:$0x1] =	stream.indirect_vreg.gather [hbm4b:s3+s2], $0x80, v3, vm0, $0xb8;
	[tilespmem:$0x8100] =	vst v63  }
0x38: {  	v3 =	vld [tilespmem:$0x30];
	_ =	sdelay $0x4  }
0x39: {  	v51 =	vshll.u32 v3, $0x1  }
0x3a: {  	v3 =	vand.u32 $0x7, v3;
	v4 =	vand.u32 $0xFFFFFFF0, v51  }
0x3b: {  	v3 =	vor.u32 v3, v4  }
0x3c: {  	v4 =	vperm.xlane v3, v0;
	_ =	sdelay $0x1  }
0x3d: {  	v3 =	vperm.xlane v3, v2;
	v4 =	vadd.s32 v1, v4;
	_ =	sdelay $0x1  }
0x3e: {  	v3 =	vadd.s32 v1, v3;
	_ =	sdelay $0x2  }
0x3f: {  	[tilespmem:s17], [sflag:$0x1] =	stream.indirect_vreg.gather [hbm4b:s3+s2], $0x80, v4, vm0, $0xb8;
	[tilespmem:$0x8100] =	vst v63  }
0x40: {  	_ = 	snop  }
0x41: {  	[tilespmem:s18], [sflag:$0x1] =	stream.indirect_vreg.gather [hbm4b:s3+s2], $0x80, v3, vm0, $0xb8;
	[tilespmem:$0x8100] =	vst v63  }
0x42: {  	v3 =	vld [tilespmem:$0x40];
	_ =	sdelay $0x4  }
0x43: {  	v52 =	vshll.u32 v3, $0x1  }
0x44: {  	v3 =	vand.u32 $0x7, v3;
	v4 =	vand.u32 $0xFFFFFFF0, v52  }
0x45: {  	v3 =	vor.u32 v3, v4  }
0x46: {  	v4 =	vperm.xlane v3, v0;
	_ =	sdelay $0x1  }
0x47: {  	v3 =	vperm.xlane v3, v2;
	v4 =	vadd.s32 v1, v4;
	_ =	sdelay $0x1  }
0x48: {  	v3 =	vadd.s32 v1, v3;
	_ =	sdelay $0x2  }
0x49: {  	[tilespmem:s19], [sflag:$0x1] =	stream.indirect_vreg.gather [hbm4b:s3+s2], $0x80, v4, vm0, $0xb8;
	[tilespmem:$0x8100] =	vst v63  }
0x4a: {  	_ = 	snop  }
0x4b: {  	[tilespmem:s20], [sflag:$0x1] =	stream.indirect_vreg.gather [hbm4b:s3+s2], $0x80, v3, vm0, $0xb8;
	[tilespmem:$0x8100] =	vst v63  }
0x4c: {  	v3 =	vld [tilespmem:$0x50];
	_ =	sdelay $0x4  }
0x4d: {  	v53 =	vshll.u32 v3, $0x1  }
0x4e: {  	v3 =	vand.u32 $0x7, v3;
	v4 =	vand.u32 $0xFFFFFFF0, v53  }
0x4f: {  	v3 =	vor.u32 v3, v4  }
0x50: {  	v4 =	vperm.xlane v3, v0;
	_ =	sdelay $0x1  }
0x51: {  	v3 =	vperm.xlane v3, v2;
	v4 =	vadd.s32 v1, v4;
	_ =	sdelay $0x1  }
0x52: {  	v3 =	vadd.s32 v1, v3;
	_ =	sdelay $0x2  }
0x53: {  	[tilespmem:s21], [sflag:$0x1] =	stream.indirect_vreg.gather [hbm4b:s3+s2], $0x80, v4, vm0, $0xb8;
	[tilespmem:$0x8100] =	vst v63  }
0x54: {  	_ = 	snop  }
0x55: {  	[tilespmem:s22], [sflag:$0x1] =	stream.indirect_vreg.gather [hbm4b:s3+s2], $0x80, v3, vm0, $0xb8;
	[tilespmem:$0x8100] =	vst v63  }
0x56: {  	v3 =	vld [tilespmem:$0x60];
	_ =	sdelay $0x4  }
0x57: {  	v54 =	vshll.u32 v3, $0x1  }
0x58: {  	v3 =	vand.u32 $0x7, v3;
	v4 =	vand.u32 $0xFFFFFFF0, v54  }
0x59: {  	v3 =	vor.u32 v3, v4  }
0x5a: {  	v4 =	vperm.xlane v3, v0;
	_ =	sdelay $0x1  }
0x5b: {  	v3 =	vperm.xlane v3, v2;
	v4 =	vadd.s32 v1, v4;
	_ =	sdelay $0x1  }
0x5c: {  	v3 =	vadd.s32 v1, v3;
	_ =	sdelay $0x2  }
0x5d: {  	[tilespmem:s23], [sflag:$0x1] =	stream.indirect_vreg.gather [hbm4b:s3+s2], $0x80, v4, vm0, $0xb8;
	[tilespmem:$0x8100] =	vst v63  }
0x5e: {  	_ = 	snop  }
0x5f: {  	[tilespmem:s24], [sflag:$0x1] =	stream.indirect_vreg.gather [hbm4b:s3+s2], $0x80, v3, vm0, $0xb8;
	[tilespmem:$0x8100] =	vst v63  }
0x60: {  	v3 =	vld [tilespmem:$0x70];
	_ =	sdelay $0x4  }
0x61: {  	v55 =	vshll.u32 v3, $0x1  }
0x62: {  	v3 =	vand.u32 $0x7, v3;
	v4 =	vand.u32 $0xFFFFFFF0, v55  }
0x63: {  	v3 =	vor.u32 v3, v4  }
0x64: {  	v4 =	vperm.xlane v3, v0;
	_ =	sdelay $0x1  }
0x65: {  	v3 =	vperm.xlane v3, v2;
	v4 =	vadd.s32 v1, v4;
	_ =	sdelay $0x1  }
0x66: {  	v3 =	vadd.s32 v1, v3;
	_ =	sdelay $0x2  }
0x67: {  	[tilespmem:s25], [sflag:$0x1] =	stream.indirect_vreg.gather [hbm4b:s3+s2], $0x80, v4, vm0, $0xb8;
	[tilespmem:$0x8100] =	vst v63  }
0x68: {  	_ = 	snop  }
0x69: {  	[tilespmem:s26], [sflag:$0x1] =	stream.indirect_vreg.gather [hbm4b:s3+s2], $0x80, v3, vm0, $0xb8;
	[tilespmem:$0x8100] =	vst v63  }
0x6a: {  	_ =	swait.ge [sflag:s28], $0x8000  }
0x6b: {  	[sflag:s28] =	ssyncset.done $0x0  }
0x6c: {  	[sflag:s28] =	ssyncadd.s32 $0xFFFF8000  }
0x6d: {  	v3 =	vld [tilespmem:$0x80];
	_ =	sdelay $0x4  }
0x6e: {  	v56 =	vshll.u32 v3, $0x1  }
0x6f: {  	v3 =	vand.u32 $0x7, v3;
	v4 =	vand.u32 $0xFFFFFFF0, v56  }
0x70: {  	v3 =	vor.u32 v3, v4  }
0x71: {  	v4 =	vperm.xlane v3, v0;
	_ =	sdelay $0x1  }
0x72: {  	v3 =	vperm.xlane v3, v2;
	v4 =	vadd.s32 v1, v4;
	_ =	sdelay $0x1  }
0x73: {  	v3 =	vadd.s32 v1, v3;
	_ =	sdelay $0x2  }
0x74: {  	[hbm4b:s5+s2] =	stream.indirect_vreg.scatter [tilespmem:s11], [sflag:$0x2], $0x80, v4, vm0, $0xb8;
	[tilespmem:$0x8100] =	vst v63  }
0x75: {  	_ = 	snop  }
0x76: {  	[hbm4b:s5+s2] =	stream.indirect_vreg.scatter [tilespmem:s12], [sflag:$0x2], $0x80, v3, vm0, $0xb8;
	[tilespmem:$0x8100] =	vst v63  }
0x77: {  	v3 =	vld [tilespmem:$0x90];
	_ =	sdelay $0x4  }
0x78: {  	v57 =	vshll.u32 v3, $0x1  }
0x79: {  	v3 =	vand.u32 $0x7, v3;
	v4 =	vand.u32 $0xFFFFFFF0, v57  }
0x7a: {  	v3 =	vor.u32 v3, v4  }
0x7b: {  	v4 =	vperm.xlane v3, v0;
	_ =	sdelay $0x1  }
0x7c: {  	v3 =	vperm.xlane v3, v2;
	v4 =	vadd.s32 v1, v4;
	_ =	sdelay $0x1  }
0x7d: {  	v3 =	vadd.s32 v1, v3;
	_ =	sdelay $0x2  }
0x7e: {  	[hbm4b:s5+s2] =	stream.indirect_vreg.scatter [tilespmem:s13], [sflag:$0x2], $0x80, v4, vm0, $0xb8;
	[tilespmem:$0x8100] =	vst v63  }
0x7f: {  	_ = 	snop  }
0x80: {  	[hbm4b:s5+s2] =	stream.indirect_vreg.scatter [tilespmem:s14], [sflag:$0x2], $0x80, v3, vm0, $0xb8;
	[tilespmem:$0x8100] =	vst v63  }
0x81: {  	v3 =	vld [tilespmem:$0xA0];
	_ =	sdelay $0x4  }
0x82: {  	v58 =	vshll.u32 v3, $0x1  }
0x83: {  	v3 =	vand.u32 $0x7, v3;
	v4 =	vand.u32 $0xFFFFFFF0, v58  }
0x84: {  	v3 =	vor.u32 v3, v4  }
0x85: {  	v4 =	vperm.xlane v3, v0;
	_ =	sdelay $0x1  }
0x86: {  	v3 =	vperm.xlane v3, v2;
	v4 =	vadd.s32 v1, v4;
	_ =	sdelay $0x1  }
0x87: {  	v3 =	vadd.s32 v1, v3;
	_ =	sdelay $0x2  }
0x88: {  	[hbm4b:s5+s2] =	stream.indirect_vreg.scatter [tilespmem:s15], [sflag:$0x2], $0x80, v4, vm0, $0xb8;
	[tilespmem:$0x8100] =	vst v63  }
0x89: {  	_ = 	snop  }
0x8a: {  	[hbm4b:s5+s2] =	stream.indirect_vreg.scatter [tilespmem:s16], [sflag:$0x2], $0x80, v3, vm0, $0xb8;
	[tilespmem:$0x8100] =	vst v63  }
0x8b: {  	v3 =	vld [tilespmem:$0xB0];
	_ =	sdelay $0x4  }
0x8c: {  	v59 =	vshll.u32 v3, $0x1  }
0x8d: {  	v3 =	vand.u32 $0x7, v3;
	v4 =	vand.u32 $0xFFFFFFF0, v59  }
0x8e: {  	v3 =	vor.u32 v3, v4  }
0x8f: {  	v4 =	vperm.xlane v3, v0;
	_ =	sdelay $0x1  }
0x90: {  	v3 =	vperm.xlane v3, v2;
	v4 =	vadd.s32 v1, v4;
	_ =	sdelay $0x1  }
0x91: {  	v3 =	vadd.s32 v1, v3;
	_ =	sdelay $0x2  }
0x92: {  	[hbm4b:s5+s2] =	stream.indirect_vreg.scatter [tilespmem:s17], [sflag:$0x2], $0x80, v4, vm0, $0xb8;
	[tilespmem:$0x8100] =	vst v63  }
0x93: {  	_ = 	snop  }
0x94: {  	[hbm4b:s5+s2] =	stream.indirect_vreg.scatter [tilespmem:s18], [sflag:$0x2], $0x80, v3, vm0, $0xb8;
	[tilespmem:$0x8100] =	vst v63  }
0x95: {  	v3 =	vld [tilespmem:$0xC0];
	_ =	sdelay $0x4  }
0x96: {  	v60 =	vshll.u32 v3, $0x1  }
0x97: {  	v3 =	vand.u32 $0x7, v3;
	v4 =	vand.u32 $0xFFFFFFF0, v60  }
0x98: {  	v3 =	vor.u32 v3, v4  }
0x99: {  	v4 =	vperm.xlane v3, v0;
	_ =	sdelay $0x1  }
0x9a: {  	v3 =	vperm.xlane v3, v2;
	v4 =	vadd.s32 v1, v4;
	_ =	sdelay $0x1  }
0x9b: {  	v3 =	vadd.s32 v1, v3;
	_ =	sdelay $0x2  }
0x9c: {  	[hbm4b:s5+s2] =	stream.indirect_vreg.scatter [tilespmem:s19], [sflag:$0x2], $0x80, v4, vm0, $0xb8;
	[tilespmem:$0x8100] =	vst v63  }
0x9d: {  	_ = 	snop  }
0x9e: {  	[hbm4b:s5+s2] =	stream.indirect_vreg.scatter [tilespmem:s20], [sflag:$0x2], $0x80, v3, vm0, $0xb8;
	[tilespmem:$0x8100] =	vst v63  }
0x9f: {  	v3 =	vld [tilespmem:$0xD0];
	_ =	sdelay $0x4  }
0xa0: {  	v61 =	vshll.u32 v3, $0x1  }
0xa1: {  	v3 =	vand.u32 $0x7, v3;
	v4 =	vand.u32 $0xFFFFFFF0, v61  }
0xa2: {  	v3 =	vor.u32 v3, v4  }
0xa3: {  	v4 =	vperm.xlane v3, v0;
	_ =	sdelay $0x1  }
0xa4: {  	v3 =	vperm.xlane v3, v2;
	v4 =	vadd.s32 v1, v4;
	_ =	sdelay $0x1  }
0xa5: {  	v3 =	vadd.s32 v1, v3;
	_ =	sdelay $0x2  }
0xa6: {  	[hbm4b:s5+s2] =	stream.indirect_vreg.scatter [tilespmem:s21], [sflag:$0x2], $0x80, v4, vm0, $0xb8;
	[tilespmem:$0x8100] =	vst v63  }
0xa7: {  	_ = 	snop  }
0xa8: {  	[hbm4b:s5+s2] =	stream.indirect_vreg.scatter [tilespmem:s22], [sflag:$0x2], $0x80, v3, vm0, $0xb8;
	[tilespmem:$0x8100] =	vst v63  }
0xa9: {  	v3 =	vld [tilespmem:$0xE0];
	_ =	sdelay $0x4  }
0xaa: {  	v62 =	vshll.u32 v3, $0x1  }
0xab: {  	v3 =	vand.u32 $0x7, v3;
	v4 =	vand.u32 $0xFFFFFFF0, v62  }
0xac: {  	v3 =	vor.u32 v3, v4  }
0xad: {  	v4 =	vperm.xlane v3, v0;
	_ =	sdelay $0x1  }
0xae: {  	v3 =	vperm.xlane v3, v2;
	v4 =	vadd.s32 v1, v4;
	_ =	sdelay $0x1  }
0xaf: {  	v3 =	vadd.s32 v1, v3;
	_ =	sdelay $0x2  }
0xb0: {  	[hbm4b:s5+s2] =	stream.indirect_vreg.scatter [tilespmem:s23], [sflag:$0x2], $0x80, v4, vm0, $0xb8;
	[tilespmem:$0x8100] =	vst v63  }
0xb1: {  	_ = 	snop  }
0xb2: {  	[hbm4b:s5+s2] =	stream.indirect_vreg.scatter [tilespmem:s24], [sflag:$0x2], $0x80, v3, vm0, $0xb8;
	[tilespmem:$0x8100] =	vst v63  }
0xb3: {  	v3 =	vld [tilespmem:$0xF0];
	_ =	sdelay $0x4  }
0xb4: {  	v63 =	vshll.u32 v3, $0x1  }
0xb5: {  	v3 =	vand.u32 $0x7, v3;
	v4 =	vand.u32 $0xFFFFFFF0, v63  }
0xb6: {  	v3 =	vor.u32 v3, v4  }
0xb7: {  	v4 =	vperm.xlane v3, v0;
	_ =	sdelay $0x1  }
0xb8: {  	v3 =	vperm.xlane v3, v2;
	v4 =	vadd.s32 v1, v4;
	_ =	sdelay $0x1  }
0xb9: {  	v3 =	vadd.s32 v1, v3;
	_ =	sdelay $0x1  }
0xba: {  	p0 =	sne.s32 s4, $0x1  }
0xbb: {  	[hbm4b:s5+s2] =	stream.indirect_vreg.scatter [tilespmem:s25], [sflag:$0x2], $0x80, v4, vm0, $0xb8;
	[tilespmem:$0x8100] =	vst v63  }
.Ltmp0:
0xbc: {  	_ = 	snop;
	(pc) =	sbr.rel @p0 .LBB2_2-.Ltmp0, $4  }
0xbd: {  	[hbm4b:s5+s2] =	stream.indirect_vreg.scatter [tilespmem:s26], [sflag:$0x2], $0x80, v3, vm0, $0xb8;
	[tilespmem:$0x8100] =	vst v63  }
0xbe: {  	_ =	swait.ge [sflag:s29], $0x8000  }
0xbf: {  	s31 =	sadd.s32 $0x10, s31;
	[sflag:s29] =	ssyncset.done $0x0  }
0xc0: {  	s4 =	sadd.s32 $0xFFFFFFFF, s4;
	s7 =	sadd.s32 $0x10, s7;
	[sflag:s29] =	ssyncadd.s32 $0xFFFF8000  }
0xc1: {  	s30 =	sadd.s32 $0x1, s30  }
0xc2: {  	p0 =	sne.s32 s30, s6  }
.Ltmp1:
0xc3: {  	_ = 	snop;
	(pc) =	sbr.rel @p0 .LBB2_1-.Ltmp1, $1  }
0xc4: {  	_ =	sdelay $0x3  }
0xc5: {  	_ =	sfence.sel $0x180000  }
0xc6: {  	[bflag:$0x0] =	sbarrier.arrive $0xFFFF  }
0xc7: {  	_ =	strace $0x9000004D  }
0xc8: {  	s0 =	stileid.u32;
	[bflag:$0x2] =	sbarrier.arrive $0xFFFF  }
0xc9: {  	p0 =	sne.s32 s0, $0x0;
	s0 =	rddreg [dreg:$0x1]  }
0xca: {  	s0 =	sadd.s32 @!p0 $0x100000, s0  }
0xcb: {  	[sflag:s0] =	ssyncadd.tile.s32 @!p0 $0x1;
	_ =	shalt  }
.Lfunc_end2:
_tile_overlayer_lowered:
.L_overlay_start_2:
0xcc: {  	(tag) =	ssettag $0x2  }
0xcd: {  	s0 =	rddreg [dreg:$0x0];
	s2 =	stileid.u32  }
0xce: {  	s1 =	rddreg [dreg:$0x1];
	p0 =	sne.s32 s2, $0x0  }
0xcf: {  	s3 =	rddreg [dreg:$0x2];
	[bflag:$0x3] =	sbarrier.arrive $0xFFFF;
	s2 =	simm.s32 @!p0 $0x1C03  }
0xd0: {  	[timem:s3], [sflag:s2] =	dma.local @!p0 [hbm:s0], s1  }
0xd1: {  	s0 =	simm.s32 @!p0 $0x3  }
0xd2: {  	_ =	swait.ge @!p0 [sflag:s0], s1  }
0xd3: {  	s1 =	ssub.s32 @!p0 $0x0, s1;
	[sflag:s0] =	ssyncset.done @!p0 $0x0  }
0xd4: {  	[sflag:s0] =	ssyncadd.s32 @!p0 s1  }
0xd5: {  	[bflag:$0x3] =	sbarrier.arrive $0xFFFF  }
0xd6: {  	_ =	shalt  }

// kernel: kernel.20.cloned.1.call-start
scs
__scs_entry_jumppad:
0x0: {  	(pc) =	sbr.rel $0x88, $3  }
0x1: {  	(tag) =	ssettag $0x0;
	lr =	simm.s32 $0x1  }
0x2: {  	[smem:$0x3F95] =	sst lr;
	_ =	strace $0xD0000000  }
0x3: {  	_ = 	snop  }
0x4: {  	_ = 	snop  }
0x5: {  	_ = 	snop  }
0x6: {  	_ = 	snop  }
0x7: {  	_ = 	snop  }
__scs_overlays_trampoline_lowered:
0x8: {  	[smem:$0x3FA4] =	sst s0  }
0x9: {  	[smem:$0x3FA5] =	sst s1  }
0xa: {  	[smem:$0x3FA6] =	sst s2  }
0xb: {  	[smem:$0x3FA7] =	sst s3  }
0xc: {  	[smem:$0x3FA8] =	sst s4  }
0xd: {  	[smem:$0x3FA9] =	sst s5  }
0xe: {  	[smem:$0x3FAA] =	sst s6  }
0xf: {  	[smem:$0x3FAB] =	sst s7  }
0x10: {  	[smem:$0x3FAC] =	sst s8  }
0x11: {  	[smem:$0x3FAD] =	sst s9;
	s0 =	simm.s32 @!p0 $0x0  }
0x12: {  	s1 =	sld [smem:$0x3F93];
	s0 =	simm.s32 @p0 $0x1  }
0x13: {  	[smem:$0x3FAE] =	sst s0;
	s0 =	simm.s32 @!p1 $0x0  }
0x14: {  	s2 =	sld [smem:$0x3F92];
	s0 =	simm.s32 @p1 $0x1  }
0x15: {  	[smem:$0x3FAF] =	sst s0;
	s0 =	simm.s32 @!p2 $0x0  }
0x16: {  	s3 =	sld [smem:$0x3FDB];
	s0 =	simm.s32 @p2 $0x1  }
0x17: {  	s4 =	simm.s32 $0x1BF5;
	[smem:$0x3FB1] =	sst s0  }
0x18: {  	s0 =	sld [smem:$0x3F94];
	_ =	swait.ge [sflag:s4], $0x0  }
0x19: {  	s7 =	sld [smem:$0x3F95]  }
0x1a: {  	s8 =	sadd.s32 $0xFFFFE003, lr  }
0x1b: {  	s9 =	sadd.s32 $0xFFFFFEF7, lr;
	s5 =	simm.s32 $0xFFFFFFFF;
	p2 =	slt.u32 s8, $0xFFFFF086  }
0x1c: {  	p1 =	slt.u32 s9, $0xF7A;
	s5 =	simm.s32 @!p2 $0x0  }
0x1d: {  	s5 =	simm.s32 @p1 $0x1;
	p0 =	seq.s32 s7, s2  }
0x1e: {  	s7 =	smul.u32 @!p0 $0xF7A, s2;
	p2 =	seq.s32 @!p0 s5, $0x0  }
0x1f: {  	s9 =	smul.u32 $0xF7A, s1;
	s8 =	simm.s32 @!p0 $0x1BF5;
	p2 =	por !p2, p0  }
0x20: {  	[sflag:s8] =	ssyncset.s32 @!p0 $0xFFFFF086;
	s6 =	sadd.s32 @!p0 s3, s7;
	s7 =	simm.s32 @!p0 $0x108  }
0x21: {  	s3 =	sadd.s32 s3, s9;
	s6 =	sadd.s32 @!p0 $0x88, s6;
	s7 =	simm.s32 @p2 $0x1082  }
0x22: {  	[simem:s7], [sflag:s8] =	dma.local @!p0 [hbm:s6], $0xF7A  }
0x23: {  	s9 =	sor.u32 $0xD0000000, s2;
	s6 =	simm.s32 $0x108;
	_ =	swait.ge @!p0 [sflag:s8], $0x0  }
0x24: {  	s3 =	sadd.s32 $0x88, s3;
	s6 =	simm.s32 @!p1 $0x1082;
	[sflag:s4] =	ssyncset.s32 $0xFFFFF086  }
0x25: {  	[simem:s6], [sflag:s4] =	dma.local [hbm:s3], $0xF7A  }
0x26: {  	[smem:$0x3F95] =	sst s1;
	(tag) =	ssettag s2;
	_ =	strace s9  }
0x27: {  	s1 =	sld [smem:$0x3FA5]  }
0x28: {  	s2 =	sld [smem:$0x3FA6]  }
0x29: {  	s4 =	sld [smem:$0x3FA8]  }
0x2a: {  	p0 =	seq.s32 s5, $0x0;
	s5 =	sld [smem:$0x3FA9]  }
0x2b: {  	s6 =	sld [smem:$0x3FAA]  }
0x2c: {  	s7 =	sld [smem:$0x3FAB]  }
0x2d: {  	s3 =	simm.s32 $0x108;
	s8 =	sld [smem:$0x3FAC]  }
0x2e: {  	s3 =	simm.s32 @!p0 $0x1082;
	s9 =	sld [smem:$0x3FAD]  }
0x2f: {  	lr =	sadd.s32 s0, s3;
	s0 =	sld [smem:$0x3FA4]  }
0x30: {  	s3 =	sld [smem:$0x3FA7]  }
0x31: {  	[smem:$0x3FB0] =	sst s10  }
0x32: {  	s10 =	sld [smem:$0x3FAE];
	_ =	sdelay $0x3  }
0x33: {  	p0 =	seq.s32 s10, $0x1;
	s10 =	sld [smem:$0x3FB0];
	_ =	sdelay $0x3  }
0x34: {  	[smem:$0x3FB0] =	sst s10  }
0x35: {  	s10 =	sld [smem:$0x3FAF];
	_ =	sdelay $0x3  }
0x36: {  	p1 =	seq.s32 s10, $0x1;
	s10 =	sld [smem:$0x3FB0];
	_ =	sdelay $0x3  }
0x37: {  	[smem:$0x3FB0] =	sst s10  }
0x38: {  	s10 =	sld [smem:$0x3FB1]  }
0x39: {  	_ = 	snop;
	(pc) =	sbr.ind lr, $3  }
0x3a: {  	_ = 	snop  }
0x3b: {  	_ = 	snop  }
0x3c: {  	p2 =	seq.s32 s10, $0x1;
	s10 =	sld [smem:$0x3FB0]  }
0x3d: {  	_ =	shalt  }
0x3e: {  	_ =	shalt  }
0x3f: {  	_ =	shalt  }
0x40: {  	_ =	shalt  }
0x41: {  	_ =	shalt  }
0x42: {  	_ =	shalt  }
0x43: {  	_ =	shalt  }
0x44: {  	_ =	shalt  }
0x45: {  	_ =	shalt  }
0x46: {  	_ =	shalt  }
0x47: {  	_ =	shalt  }
0x48: {  	_ =	shalt  }
0x49: {  	_ =	shalt  }
0x4a: {  	_ =	shalt  }
0x4b: {  	_ =	shalt  }
0x4c: {  	_ =	shalt  }
0x4d: {  	_ =	shalt  }
0x4e: {  	_ =	shalt  }
0x4f: {  	_ =	shalt  }
0x50: {  	_ =	shalt  }
0x51: {  	_ =	shalt  }
0x52: {  	_ =	shalt  }
0x53: {  	_ =	shalt  }
0x54: {  	_ =	shalt  }
0x55: {  	_ =	shalt  }
0x56: {  	_ =	shalt  }
0x57: {  	_ =	shalt  }
0x58: {  	_ =	shalt  }
0x59: {  	_ =	shalt  }
0x5a: {  	_ =	shalt  }
0x5b: {  	_ =	shalt  }
0x5c: {  	_ =	shalt  }
0x5d: {  	_ =	shalt  }
0x5e: {  	_ =	shalt  }
0x5f: {  	_ =	shalt  }
0x60: {  	_ =	shalt  }
0x61: {  	_ =	shalt  }
0x62: {  	_ =	shalt  }
0x63: {  	_ =	shalt  }
0x64: {  	_ =	shalt  }
0x65: {  	_ =	shalt  }
0x66: {  	_ =	shalt  }
0x67: {  	_ =	shalt  }
0x68: {  	_ =	shalt  }
0x69: {  	_ =	shalt  }
0x6a: {  	_ =	shalt  }
0x6b: {  	_ =	shalt  }
0x6c: {  	_ =	shalt  }
0x6d: {  	_ =	shalt  }
0x6e: {  	_ =	shalt  }
0x6f: {  	_ =	shalt  }
0x70: {  	_ =	shalt  }
0x71: {  	_ =	shalt  }
0x72: {  	_ =	shalt  }
0x73: {  	_ =	shalt  }
0x74: {  	_ =	shalt  }
0x75: {  	_ =	shalt  }
0x76: {  	_ =	shalt  }
0x77: {  	_ =	shalt  }
0x78: {  	_ =	shalt  }
0x79: {  	_ =	shalt  }
0x7a: {  	_ =	shalt  }
0x7b: {  	_ =	shalt  }
0x7c: {  	_ =	shalt  }
0x7d: {  	_ =	shalt  }
0x7e: {  	_ =	shalt  }
0x7f: {  	_ =	shalt  }
0x80: {  	_ =	shalt  }
0x81: {  	_ =	shalt  }
0x82: {  	_ =	shalt  }
0x83: {  	_ =	shalt  }
0x84: {  	_ =	shalt  }
0x85: {  	_ =	shalt  }
0x86: {  	_ =	shalt  }
0x87: {  	_ =	shalt  }
.Lfunc_end0:
.L_simem_size_0:
called_computation.3_lowered:
.L_overlay_start_0:
0x88: {  	s2 =	sld [smem:$0x3FD9]  }
0x89: {  	s3 =	sld [smem:$0x3FFE];
	_ =	sdelay $0x1  }
0x8a: {  	s1 =	srdreg.scid  }
0x8b: {  	s0 =	sand.u32 $0x1, s1  }
0x8c: {  	s16 =	sshll.u32 s0, $0xA;
	s2 =	sadd.s32 s3, s2  }
0x8d: {  	s2 =	sadd.s32 s2, s16  }
0x8e: {  	[smem:$0x3FBC] =	sst s2  }
0x8f: {  	_ = 	snop  }
0x90: {  	(tm) =	ssettm $0x1  }
0x91: {  	s17 =	sld [smem:$0x3FFB];
	_ =	sdelay $0x3  }
0x92: {  	_ =	strace s17  }
0x93: {  	s2 =	sld [smem:$0x3FFC];
	_ =	sdelay $0x3  }
0x94: {  	_ =	strace s2  }
0x95: {  	s2 =	sld [smem:$0x3FFD];
	_ =	sdelay $0x3  }
0x96: {  	_ =	strace s2  }
0x97: {  	_ =	strace $0x8FFFFFFF  }
0x98: {  	s18 =	sld [smem:$0x3FDB];
	_ =	sdelay $0x1  }
0x99: {  	s19 =	simm.s32 $_scs_section_size  }
0x9a: {  	s4 =	simm.s32 $_size__tile_overlayer_lowered;
	s5 =	simm.s32 $_tile_overlayer_lowered  }
0x9b: {  	s22 =	simm.s32 $0x1BFF;
	s21 =	sshll.u32 s5, $0x1;
	s2 =	sadd.s32 s19, s18  }
0x9c: {  	s6 =	simm.s32 $0x0;
	s20 =	sshll.u32 s4, $0x1;
	s4 =	sadd.s32 s21, s2  }
0x9d: {  	[timem:s6], [sflag:s22] =	dma.local [hbm:s4], s20  }
0x9e: {  	_ =	swait.ge [sflag:s22], s20  }
0x9f: {  	s3 =	ssub.s32 $0x0, s20;
	[sflag:s22] =	ssyncset.done $0x0  }
0xa0: {  	[sflag:s22] =	ssyncadd.s32 s3;
	_ =	sdelay $0x1  }
0xa1: {  	s23 =	simm.s32 $0x1B8B  }
0xa2: {  	_ =	swait.ge [sflag:s23], $0x1  }
0xa3: {  	[sflag:s23] =	ssyncset.done $0x0  }
0xa4: {  	s25 =	simm.s32 $0x1B8E;
	s24 =	sld [smem:$0x3FFE];
	[sflag:s23] =	ssyncadd.s32 $0xFFFFFFFF  }
0xa5: {  	s26 =	simm.s32 $execute0_lowered;
	[smem:$0x3FD2] =	sst s25  }
0xa6: {  	s4 =	sshll.u32 s26, $0x1;
	_ =	strace $0x8000004F;
	[dreg:$0x1] =	wrdreg $0xFFFFFFFF  }
0xa7: {  	s28 =	simm.s32 $_size_execute0_lowered;
	s2 =	sadd.s32 s2, s4;
	[dreg:$0x0] =	wrdreg $0x0  }
0xa8: {  	s4 =	sshll.u32 s28, $0x1;
	[dreg:$0x2] =	wrdreg s2  }
0xa9: {  	[dreg:$0x3] =	wrdreg s4  }
0xaa: {  	[dreg:$0x4] =	wrdreg $0xC0  }
0xab: {  	_ =	task [dreg:s6], $0x5FFFF  }
0xac: {  	[dreg:$0x1] =	wrdreg $0xFFFFFFFF  }
0xad: {  	[dreg:$0x0] =	wrdreg $0x60  }
0xae: {  	[dreg:$0x2] =	wrdreg s24  }
0xaf: {  	[dreg:$0x3] =	wrdreg $0x9  }
0xb0: {  	_ =	task.clear_ibuf [dreg:s6], $0x4FFFF;
	_ =	strace $0x9000004F  }
0xb1: {  	s29 =	simm.s32 $0x9;
	_ =	strace $0x80000051  }
0xb2: {  	_ =	swait.ge [sflag:s29], $0x1  }
0xb3: {  	[sflag:s29] =	ssyncadd.s32 $0xFFFFFFFF  }
0xb4: {  	_ =	strace $0x90000051  }
0xb5: {  	_ =	sfence  }
0xb6: {  	s30 =	sld [smem:$0x0];
	_ =	sdelay $0x2  }
0xb7: {  	s31 =	sshll.u32 s1, $0xD;
	s1 =	sshrl.u32 s1, $0x2  }
0xb8: {  	s3 =	sand.u32 $0x4000, s31;
	s1 =	sadd.s32 s1, s30  }
0xb9: {  	s0 =	sor.u32 s3, s0;
	s1 =	sshll.u32 s1, $0x11  }
0xba: {  	s0 =	sor.u32 s1, s0  }
0xbb: {  	s0 =	sadd.s32 $0x8F2B, s0  }
0xbc: {  	[sflag:s0] =	ssyncadd.remote.s32 $0x1  }
0xbd: {  	_ =	sfence.sel $0xFFFF  }
0xbe: {  	[dreg:$0x0] =	wrdreg $0xFFFFFFFF;
	(pc) =	sbr.abs _section_cstart, $3  }
0xbf: {  	[dreg:$0x1] =	wrdreg $0xFFFFFFFF  }
0xc0: {  	_ =	task.clear_ibuf [dreg:s6], $0x2FFFF;
	_ =	strace $0x9FFFFFFF  }
0xc1: {  	(tm) =	ssettm $0x7FFFFFFF  }
tec
execute0_lowered:
.L_overlay_start_1:
0x0: {  	(tag) =	ssettag $0x1  }
0x1: {  	s0 =	rddreg [dreg:$0x0]  }
0x2: {  	s4 =	stileid.u32;
	s1 =	srdreg.scid  }
0x3: {  	s2 =	simm.s32 $0x0;
	s9 =	simm.s32 $0x3;
	s10 =	simm.s32 $0x80  }
0x4: {  	s11 =	simm.s32 $0x100;
	s12 =	simm.s32 $0x900;
	s13 =	simm.s32 $0x1100  }
0x5: {  	s14 =	simm.s32 $0x1900;
	s15 =	simm.s32 $0x2100;
	s16 =	simm.s32 $0x2900  }
0x6: {  	s17 =	simm.s32 $0x3100;
	s18 =	simm.s32 $0x3900;
	s19 =	simm.s32 $0x4100  }
0x7: {  	s20 =	simm.s32 $0x4900;
	s21 =	simm.s32 $0x5100;
	s22 =	simm.s32 $0x5900  }
0x8: {  	s23 =	simm.s32 $0x6100;
	s24 =	simm.s32 $0x6900;
	s25 =	simm.s32 $0x7100  }
0x9: {  	s26 =	simm.s32 $0x7900;
	s28 =	simm.s32 $0x1;
	s29 =	simm.s32 $0x2  }
0xa: {  	s30 =	simm.s32 $0x0;
	s3 =	smul.u32 $0x3B, s4;
	s1 =	sand.u32 $0x1, s1  }
0xb: {  	s4 =	smul.u32 $0x63, s4;
	[smem:$0x7FF] =	sst s2;
	p0 =	seq.s32 s1, $0x0  }
0xc: {  	_ =	strace $0x80000050;
	s6 =	ssub.s32 $0x2, s1;
	s5 =	sadd.s32 $0x630, s3  }
0xd: {  	s1 =	simm.s32 $0x63;
	s3 =	sadd.s32 $0x1FC00, s0;
	s5 =	smov.u32 @p0 s4  }
0xe: {  	v2 =	vlaneseq.u32;
	s7 =	sshrl.u32 s6, $0x1;
	s1 =	simm.s32 @!p0 $0x3B;
	s4 =	sshll.u32 s5, $0x4  }
0xf: {  	vm0 =	vmmov $0xffff;
	v1 =	vshrl.u32 v2, $0x3;
	s31 =	ssub.s32 s6, s7;
	s5 =	sadd.s32 $0x6DE00, s0;
	s4 =	sadd.s32 s4, s0  }
0x10: {  	v0 =	vand.u32 $0x7, v2;
	v2 =	vor.u32 $0x8, v2;
	v1 =	vmul.u32 $0x8, v1;
	s6 =	smax.u32 s31, $0x1;
	s0 =	sadd.s32 $0x2200, s4;
	s8 =	sadd.s32 $0x15E00, s4  }
.LBB2_1:
0x11: {  	s31 =	smov.u32 s8;
	s7 =	smov.u32 s0;
	s4 =	smov.u32 s1  }
.LBB2_2:
0x12: {  	[tilespmem:s2], [sflag:$0x3] =	stream.linear.gather [hbm4b:s31+s2], $0x80, $0x38;
	[tilespmem:$0x8100] =	vst v63  }
0x13: {  	_ =	swait.ge [sflag:s9], $0x80  }
0x14: {  	[sflag:s9] =	ssyncset.done $0x0  }
0x15: {  	[sflag:s9] =	ssyncadd.s32 $0xFFFFFF80  }
0x16: {  	[tilespmem:s10], [sflag:$0x3] =	stream.linear.gather [hbm4b:s7+s2], $0x80, $0x38;
	[tilespmem:$0x8100] =	vst v63  }
0x17: {  	_ =	swait.ge [sflag:s9], $0x80  }
0x18: {  	[sflag:s9] =	ssyncset.done $0x0  }
0x19: {  	[sflag:s9] =	ssyncadd.s32 $0xFFFFFF80  }
0x1a: {  	v3 =	vld [tilespmem:$0x0];
	_ =	sdelay $0x4  }
0x1b: {  	v4 =	vshll.u32 v3, $0x1  }
0x1c: {  	v3 =	vand.u32 $0x7, v3;
	v4 =	vand.u32 $0xFFFFFFF0, v4  }
0x1d: {  	v3 =	vor.u32 v3, v4  }
0x1e: {  	v4 =	vperm.xlane v3, v0;
	_ =	sdelay $0x1  }
0x1f: {  	v3 =	vperm.xlane v3, v2;
	v4 =	vadd.s32 v1, v4;
	_ =	sdelay $0x1  }
0x20: {  	v3 =	vadd.s32 v1, v3;
	_ =	sdelay $0x2  }
0x21: {  	[tilespmem:s11], [sflag:$0x1] =	stream.indirect_vreg.gather [hbm4b:s3+s2], $0x80, v4, vm0, $0xb8;
	[tilespmem:$0x8100] =	vst v63  }
0x22: {  	_ = 	snop  }
0x23: {  	[tilespmem:s12], [sflag:$0x1] =	stream.indirect_vreg.gather [hbm4b:s3+s2], $0x80, v3, vm0, $0xb8;
	[tilespmem:$0x8100] =	vst v63  }
0x24: {  	v3 =	vld [tilespmem:$0x10];
	_ =	sdelay $0x4  }
0x25: {  	v49 =	vshll.u32 v3, $0x1  }
0x26: {  	v3 =	vand.u32 $0x7, v3;
	v4 =	vand.u32 $0xFFFFFFF0, v49  }
0x27: {  	v3 =	vor.u32 v3, v4  }
0x28: {  	v4 =	vperm.xlane v3, v0;
	_ =	sdelay $0x1  }
0x29: {  	v3 =	vperm.xlane v3, v2;
	v4 =	vadd.s32 v1, v4;
	_ =	sdelay $0x1  }
0x2a: {  	v3 =	vadd.s32 v1, v3;
	_ =	sdelay $0x2  }
0x2b: {  	[tilespmem:s13], [sflag:$0x1] =	stream.indirect_vreg.gather [hbm4b:s3+s2], $0x80, v4, vm0, $0xb8;
	[tilespmem:$0x8100] =	vst v63  }
0x2c: {  	_ = 	snop  }
0x2d: {  	[tilespmem:s14], [sflag:$0x1] =	stream.indirect_vreg.gather [hbm4b:s3+s2], $0x80, v3, vm0, $0xb8;
	[tilespmem:$0x8100] =	vst v63  }
0x2e: {  	v3 =	vld [tilespmem:$0x20];
	_ =	sdelay $0x4  }
0x2f: {  	v50 =	vshll.u32 v3, $0x1  }
0x30: {  	v3 =	vand.u32 $0x7, v3;
	v4 =	vand.u32 $0xFFFFFFF0, v50  }
0x31: {  	v3 =	vor.u32 v3, v4  }
0x32: {  	v4 =	vperm.xlane v3, v0;
	_ =	sdelay $0x1  }
0x33: {  	v3 =	vperm.xlane v3, v2;
	v4 =	vadd.s32 v1, v4;
	_ =	sdelay $0x1  }
0x34: {  	v3 =	vadd.s32 v1, v3;
	_ =	sdelay $0x2  }
0x35: {  	[tilespmem:s15], [sflag:$0x1] =	stream.indirect_vreg.gather [hbm4b:s3+s2], $0x80, v4, vm0, $0xb8;
	[tilespmem:$0x8100] =	vst v63  }
0x36: {  	_ = 	snop  }
0x37: {  	[tilespmem:s16], [sflag:$0x1] =	stream.indirect_vreg.gather [hbm4b:s3+s2], $0x80, v3, vm0, $0xb8;
	[tilespmem:$0x8100] =	vst v63  }
0x38: {  	v3 =	vld [tilespmem:$0x30];
	_ =	sdelay $0x4  }
0x39: {  	v51 =	vshll.u32 v3, $0x1  }
0x3a: {  	v3 =	vand.u32 $0x7, v3;
	v4 =	vand.u32 $0xFFFFFFF0, v51  }
0x3b: {  	v3 =	vor.u32 v3, v4  }
0x3c: {  	v4 =	vperm.xlane v3, v0;
	_ =	sdelay $0x1  }
0x3d: {  	v3 =	vperm.xlane v3, v2;
	v4 =	vadd.s32 v1, v4;
	_ =	sdelay $0x1  }
0x3e: {  	v3 =	vadd.s32 v1, v3;
	_ =	sdelay $0x2  }
0x3f: {  	[tilespmem:s17], [sflag:$0x1] =	stream.indirect_vreg.gather [hbm4b:s3+s2], $0x80, v4, vm0, $0xb8;
	[tilespmem:$0x8100] =	vst v63  }
0x40: {  	_ = 	snop  }
0x41: {  	[tilespmem:s18], [sflag:$0x1] =	stream.indirect_vreg.gather [hbm4b:s3+s2], $0x80, v3, vm0, $0xb8;
	[tilespmem:$0x8100] =	vst v63  }
0x42: {  	v3 =	vld [tilespmem:$0x40];
	_ =	sdelay $0x4  }
0x43: {  	v52 =	vshll.u32 v3, $0x1  }
0x44: {  	v3 =	vand.u32 $0x7, v3;
	v4 =	vand.u32 $0xFFFFFFF0, v52  }
0x45: {  	v3 =	vor.u32 v3, v4  }
0x46: {  	v4 =	vperm.xlane v3, v0;
	_ =	sdelay $0x1  }
0x47: {  	v3 =	vperm.xlane v3, v2;
	v4 =	vadd.s32 v1, v4;
	_ =	sdelay $0x1  }
0x48: {  	v3 =	vadd.s32 v1, v3;
	_ =	sdelay $0x2  }
0x49: {  	[tilespmem:s19], [sflag:$0x1] =	stream.indirect_vreg.gather [hbm4b:s3+s2], $0x80, v4, vm0, $0xb8;
	[tilespmem:$0x8100] =	vst v63  }
0x4a: {  	_ = 	snop  }
0x4b: {  	[tilespmem:s20], [sflag:$0x1] =	stream.indirect_vreg.gather [hbm4b:s3+s2], $0x80, v3, vm0, $0xb8;
	[tilespmem:$0x8100] =	vst v63  }
0x4c: {  	v3 =	vld [tilespmem:$0x50];
	_ =	sdelay $0x4  }
0x4d: {  	v53 =	vshll.u32 v3, $0x1  }
0x4e: {  	v3 =	vand.u32 $0x7, v3;
	v4 =	vand.u32 $0xFFFFFFF0, v53  }
0x4f: {  	v3 =	vor.u32 v3, v4  }
0x50: {  	v4 =	vperm.xlane v3, v0;
	_ =	sdelay $0x1  }
0x51: {  	v3 =	vperm.xlane v3, v2;
	v4 =	vadd.s32 v1, v4;
	_ =	sdelay $0x1  }
0x52: {  	v3 =	vadd.s32 v1, v3;
	_ =	sdelay $0x2  }
0x53: {  	[tilespmem:s21], [sflag:$0x1] =	stream.indirect_vreg.gather [hbm4b:s3+s2], $0x80, v4, vm0, $0xb8;
	[tilespmem:$0x8100] =	vst v63  }
0x54: {  	_ = 	snop  }
0x55: {  	[tilespmem:s22], [sflag:$0x1] =	stream.indirect_vreg.gather [hbm4b:s3+s2], $0x80, v3, vm0, $0xb8;
	[tilespmem:$0x8100] =	vst v63  }
0x56: {  	v3 =	vld [tilespmem:$0x60];
	_ =	sdelay $0x4  }
0x57: {  	v54 =	vshll.u32 v3, $0x1  }
0x58: {  	v3 =	vand.u32 $0x7, v3;
	v4 =	vand.u32 $0xFFFFFFF0, v54  }
0x59: {  	v3 =	vor.u32 v3, v4  }
0x5a: {  	v4 =	vperm.xlane v3, v0;
	_ =	sdelay $0x1  }
0x5b: {  	v3 =	vperm.xlane v3, v2;
	v4 =	vadd.s32 v1, v4;
	_ =	sdelay $0x1  }
0x5c: {  	v3 =	vadd.s32 v1, v3;
	_ =	sdelay $0x2  }
0x5d: {  	[tilespmem:s23], [sflag:$0x1] =	stream.indirect_vreg.gather [hbm4b:s3+s2], $0x80, v4, vm0, $0xb8;
	[tilespmem:$0x8100] =	vst v63  }
0x5e: {  	_ = 	snop  }
0x5f: {  	[tilespmem:s24], [sflag:$0x1] =	stream.indirect_vreg.gather [hbm4b:s3+s2], $0x80, v3, vm0, $0xb8;
	[tilespmem:$0x8100] =	vst v63  }
0x60: {  	v3 =	vld [tilespmem:$0x70];
	_ =	sdelay $0x4  }
0x61: {  	v55 =	vshll.u32 v3, $0x1  }
0x62: {  	v3 =	vand.u32 $0x7, v3;
	v4 =	vand.u32 $0xFFFFFFF0, v55  }
0x63: {  	v3 =	vor.u32 v3, v4  }
0x64: {  	v4 =	vperm.xlane v3, v0;
	_ =	sdelay $0x1  }
0x65: {  	v3 =	vperm.xlane v3, v2;
	v4 =	vadd.s32 v1, v4;
	_ =	sdelay $0x1  }
0x66: {  	v3 =	vadd.s32 v1, v3;
	_ =	sdelay $0x2  }
0x67: {  	[tilespmem:s25], [sflag:$0x1] =	stream.indirect_vreg.gather [hbm4b:s3+s2], $0x80, v4, vm0, $0xb8;
	[tilespmem:$0x8100] =	vst v63  }
0x68: {  	_ = 	snop  }
0x69: {  	[tilespmem:s26], [sflag:$0x1] =	stream.indirect_vreg.gather [hbm4b:s3+s2], $0x80, v3, vm0, $0xb8;
	[tilespmem:$0x8100] =	vst v63  }
0x6a: {  	_ =	swait.ge [sflag:s28], $0x8000  }
0x6b: {  	[sflag:s28] =	ssyncset.done $0x0  }
0x6c: {  	[sflag:s28] =	ssyncadd.s32 $0xFFFF8000  }
0x6d: {  	v3 =	vld [tilespmem:$0x80];
	_ =	sdelay $0x4  }
0x6e: {  	v56 =	vshll.u32 v3, $0x1  }
0x6f: {  	v3 =	vand.u32 $0x7, v3;
	v4 =	vand.u32 $0xFFFFFFF0, v56  }
0x70: {  	v3 =	vor.u32 v3, v4  }
0x71: {  	v4 =	vperm.xlane v3, v0;
	_ =	sdelay $0x1  }
0x72: {  	v3 =	vperm.xlane v3, v2;
	v4 =	vadd.s32 v1, v4;
	_ =	sdelay $0x1  }
0x73: {  	v3 =	vadd.s32 v1, v3;
	_ =	sdelay $0x2  }
0x74: {  	[hbm4b:s5+s2] =	stream.indirect_vreg.scatter [tilespmem:s11], [sflag:$0x2], $0x80, v4, vm0, $0xb8;
	[tilespmem:$0x8100] =	vst v63  }
0x75: {  	_ = 	snop  }
0x76: {  	[hbm4b:s5+s2] =	stream.indirect_vreg.scatter [tilespmem:s12], [sflag:$0x2], $0x80, v3, vm0, $0xb8;
	[tilespmem:$0x8100] =	vst v63  }
0x77: {  	v3 =	vld [tilespmem:$0x90];
	_ =	sdelay $0x4  }
0x78: {  	v57 =	vshll.u32 v3, $0x1  }
0x79: {  	v3 =	vand.u32 $0x7, v3;
	v4 =	vand.u32 $0xFFFFFFF0, v57  }
0x7a: {  	v3 =	vor.u32 v3, v4  }
0x7b: {  	v4 =	vperm.xlane v3, v0;
	_ =	sdelay $0x1  }
0x7c: {  	v3 =	vperm.xlane v3, v2;
	v4 =	vadd.s32 v1, v4;
	_ =	sdelay $0x1  }
0x7d: {  	v3 =	vadd.s32 v1, v3;
	_ =	sdelay $0x2  }
0x7e: {  	[hbm4b:s5+s2] =	stream.indirect_vreg.scatter [tilespmem:s13], [sflag:$0x2], $0x80, v4, vm0, $0xb8;
	[tilespmem:$0x8100] =	vst v63  }
0x7f: {  	_ = 	snop  }
0x80: {  	[hbm4b:s5+s2] =	stream.indirect_vreg.scatter [tilespmem:s14], [sflag:$0x2], $0x80, v3, vm0, $0xb8;
	[tilespmem:$0x8100] =	vst v63  }
0x81: {  	v3 =	vld [tilespmem:$0xA0];
	_ =	sdelay $0x4  }
0x82: {  	v58 =	vshll.u32 v3, $0x1  }
0x83: {  	v3 =	vand.u32 $0x7, v3;
	v4 =	vand.u32 $0xFFFFFFF0, v58  }
0x84: {  	v3 =	vor.u32 v3, v4  }
0x85: {  	v4 =	vperm.xlane v3, v0;
	_ =	sdelay $0x1  }
0x86: {  	v3 =	vperm.xlane v3, v2;
	v4 =	vadd.s32 v1, v4;
	_ =	sdelay $0x1  }
0x87: {  	v3 =	vadd.s32 v1, v3;
	_ =	sdelay $0x2  }
0x88: {  	[hbm4b:s5+s2] =	stream.indirect_vreg.scatter [tilespmem:s15], [sflag:$0x2], $0x80, v4, vm0, $0xb8;
	[tilespmem:$0x8100] =	vst v63  }
0x89: {  	_ = 	snop  }
0x8a: {  	[hbm4b:s5+s2] =	stream.indirect_vreg.scatter [tilespmem:s16], [sflag:$0x2], $0x80, v3, vm0, $0xb8;
	[tilespmem:$0x8100] =	vst v63  }
0x8b: {  	v3 =	vld [tilespmem:$0xB0];
	_ =	sdelay $0x4  }
0x8c: {  	v59 =	vshll.u32 v3, $0x1  }
0x8d: {  	v3 =	vand.u32 $0x7, v3;
	v4 =	vand.u32 $0xFFFFFFF0, v59  }
0x8e: {  	v3 =	vor.u32 v3, v4  }
0x8f: {  	v4 =	vperm.xlane v3, v0;
	_ =	sdelay $0x1  }
0x90: {  	v3 =	vperm.xlane v3, v2;
	v4 =	vadd.s32 v1, v4;
	_ =	sdelay $0x1  }
0x91: {  	v3 =	vadd.s32 v1, v3;
	_ =	sdelay $0x2  }
0x92: {  	[hbm4b:s5+s2] =	stream.indirect_vreg.scatter [tilespmem:s17], [sflag:$0x2], $0x80, v4, vm0, $0xb8;
	[tilespmem:$0x8100] =	vst v63  }
0x93: {  	_ = 	snop  }
0x94: {  	[hbm4b:s5+s2] =	stream.indirect_vreg.scatter [tilespmem:s18], [sflag:$0x2], $0x80, v3, vm0, $0xb8;
	[tilespmem:$0x8100] =	vst v63  }
0x95: {  	v3 =	vld [tilespmem:$0xC0];
	_ =	sdelay $0x4  }
0x96: {  	v60 =	vshll.u32 v3, $0x1  }
0x97: {  	v3 =	vand.u32 $0x7, v3;
	v4 =	vand.u32 $0xFFFFFFF0, v60  }
0x98: {  	v3 =	vor.u32 v3, v4  }
0x99: {  	v4 =	vperm.xlane v3, v0;
	_ =	sdelay $0x1  }
0x9a: {  	v3 =	vperm.xlane v3, v2;
	v4 =	vadd.s32 v1, v4;
	_ =	sdelay $0x1  }
0x9b: {  	v3 =	vadd.s32 v1, v3;
	_ =	sdelay $0x2  }
0x9c: {  	[hbm4b:s5+s2] =	stream.indirect_vreg.scatter [tilespmem:s19], [sflag:$0x2], $0x80, v4, vm0, $0xb8;
	[tilespmem:$0x8100] =	vst v63  }
0x9d: {  	_ = 	snop  }
0x9e: {  	[hbm4b:s5+s2] =	stream.indirect_vreg.scatter [tilespmem:s20], [sflag:$0x2], $0x80, v3, vm0, $0xb8;
	[tilespmem:$0x8100] =	vst v63  }
0x9f: {  	v3 =	vld [tilespmem:$0xD0];
	_ =	sdelay $0x4  }
0xa0: {  	v61 =	vshll.u32 v3, $0x1  }
0xa1: {  	v3 =	vand.u32 $0x7, v3;
	v4 =	vand.u32 $0xFFFFFFF0, v61  }
0xa2: {  	v3 =	vor.u32 v3, v4  }
0xa3: {  	v4 =	vperm.xlane v3, v0;
	_ =	sdelay $0x1  }
0xa4: {  	v3 =	vperm.xlane v3, v2;
	v4 =	vadd.s32 v1, v4;
	_ =	sdelay $0x1  }
0xa5: {  	v3 =	vadd.s32 v1, v3;
	_ =	sdelay $0x2  }
0xa6: {  	[hbm4b:s5+s2] =	stream.indirect_vreg.scatter [tilespmem:s21], [sflag:$0x2], $0x80, v4, vm0, $0xb8;
	[tilespmem:$0x8100] =	vst v63  }
0xa7: {  	_ = 	snop  }
0xa8: {  	[hbm4b:s5+s2] =	stream.indirect_vreg.scatter [tilespmem:s22], [sflag:$0x2], $0x80, v3, vm0, $0xb8;
	[tilespmem:$0x8100] =	vst v63  }
0xa9: {  	v3 =	vld [tilespmem:$0xE0];
	_ =	sdelay $0x4  }
0xaa: {  	v62 =	vshll.u32 v3, $0x1  }
0xab: {  	v3 =	vand.u32 $0x7, v3;
	v4 =	vand.u32 $0xFFFFFFF0, v62  }
0xac: {  	v3 =	vor.u32 v3, v4  }
0xad: {  	v4 =	vperm.xlane v3, v0;
	_ =	sdelay $0x1  }
0xae: {  	v3 =	vperm.xlane v3, v2;
	v4 =	vadd.s32 v1, v4;
	_ =	sdelay $0x1  }
0xaf: {  	v3 =	vadd.s32 v1, v3;
	_ =	sdelay $0x2  }
0xb0: {  	[hbm4b:s5+s2] =	stream.indirect_vreg.scatter [tilespmem:s23], [sflag:$0x2], $0x80, v4, vm0, $0xb8;
	[tilespmem:$0x8100] =	vst v63  }
0xb1: {  	_ = 	snop  }
0xb2: {  	[hbm4b:s5+s2] =	stream.indirect_vreg.scatter [tilespmem:s24], [sflag:$0x2], $0x80, v3, vm0, $0xb8;
	[tilespmem:$0x8100] =	vst v63  }
0xb3: {  	v3 =	vld [tilespmem:$0xF0];
	_ =	sdelay $0x4  }
0xb4: {  	v63 =	vshll.u32 v3, $0x1  }
0xb5: {  	v3 =	vand.u32 $0x7, v3;
	v4 =	vand.u32 $0xFFFFFFF0, v63  }
0xb6: {  	v3 =	vor.u32 v3, v4  }
0xb7: {  	v4 =	vperm.xlane v3, v0;
	_ =	sdelay $0x1  }
0xb8: {  	v3 =	vperm.xlane v3, v2;
	v4 =	vadd.s32 v1, v4;
	_ =	sdelay $0x1  }
0xb9: {  	v3 =	vadd.s32 v1, v3;
	_ =	sdelay $0x1  }
0xba: {  	p0 =	sne.s32 s4, $0x1  }
0xbb: {  	[hbm4b:s5+s2] =	stream.indirect_vreg.scatter [tilespmem:s25], [sflag:$0x2], $0x80, v4, vm0, $0xb8;
	[tilespmem:$0x8100] =	vst v63  }
.Ltmp0:
0xbc: {  	_ = 	snop;
	(pc) =	sbr.rel @p0 .LBB2_2-.Ltmp0, $4  }
0xbd: {  	[hbm4b:s5+s2] =	stream.indirect_vreg.scatter [tilespmem:s26], [sflag:$0x2], $0x80, v3, vm0, $0xb8;
	[tilespmem:$0x8100] =	vst v63  }
0xbe: {  	_ =	swait.ge [sflag:s29], $0x8000  }
0xbf: {  	s31 =	sadd.s32 $0x10, s31;
	[sflag:s29] =	ssyncset.done $0x0  }
0xc0: {  	s4 =	sadd.s32 $0xFFFFFFFF, s4;
	s7 =	sadd.s32 $0x10, s7;
	[sflag:s29] =	ssyncadd.s32 $0xFFFF8000  }
0xc1: {  	s30 =	sadd.s32 $0x1, s30  }
0xc2: {  	p0 =	sne.s32 s30, s6  }
.Ltmp1:
0xc3: {  	_ = 	snop;
	(pc) =	sbr.rel @p0 .LBB2_1-.Ltmp1, $1  }
0xc4: {  	_ =	sdelay $0x3  }
0xc5: {  	_ =	sfence.sel $0x180000  }
0xc6: {  	[bflag:$0x0] =	sbarrier.arrive $0xFFFF  }
0xc7: {  	_ =	strace $0x90000050  }
0xc8: {  	s0 =	stileid.u32;
	[bflag:$0x2] =	sbarrier.arrive $0xFFFF  }
0xc9: {  	p0 =	sne.s32 s0, $0x0;
	s0 =	rddreg [dreg:$0x1]  }
0xca: {  	s0 =	sadd.s32 @!p0 $0x100000, s0  }
0xcb: {  	[sflag:s0] =	ssyncadd.tile.s32 @!p0 $0x1;
	_ =	shalt  }
.Lfunc_end2:
_tile_overlayer_lowered:
.L_overlay_start_2:
0xcc: {  	(tag) =	ssettag $0x2  }
0xcd: {  	s0 =	rddreg [dreg:$0x0];
	s2 =	stileid.u32  }
0xce: {  	s1 =	rddreg [dreg:$0x1];
	p0 =	sne.s32 s2, $0x0  }
0xcf: {  	s3 =	rddreg [dreg:$0x2];
	[bflag:$0x3] =	sbarrier.arrive $0xFFFF;
	s2 =	simm.s32 @!p0 $0x1C03  }
0xd0: {  	[timem:s3], [sflag:s2] =	dma.local @!p0 [hbm:s0], s1  }
0xd1: {  	s0 =	simm.s32 @!p0 $0x3  }
0xd2: {  	_ =	swait.ge @!p0 [sflag:s0], s1  }
0xd3: {  	s1 =	ssub.s32 @!p0 $0x0, s1;
	[sflag:s0] =	ssyncset.done @!p0 $0x0  }
0xd4: {  	[sflag:s0] =	ssyncadd.s32 @!p0 s1  }
0xd5: {  	[bflag:$0x3] =	sbarrier.arrive $0xFFFF  }
0xd6: {  	_ =	shalt  }

</sc_bundles>
